<compile_context>
chip_gen: v7x
topology: tpu7x:2x2x1
jax: 0.10.2.dev20260603
libtpu: 0.0.44.dev20260713+nightly
codegen_flags: <defaults>
</compile_context>

<pallas_src>
import functools

import jax
import jax.numpy as jnp
from jax import lax
from jax.experimental import pallas as pl
from jax.experimental.pallas import tpu as pltpu
from jax.experimental.pallas import tpu_sc as plsc

_NC = 2
_NS = 16
_NW = _NC * _NS
_NI = 1000
_NP = 16
_NT = 4096
_TT = _NT // 128


def _sc_body(x5, c2, out3, buf, cvec, outbuf):
    wid = lax.axis_index("s") * _NC + lax.axis_index("c")

    def per_item(k, carry):
        i = wid + _NW * k

        @pl.when(i < _NI)
        def _():
            pltpu.sync_copy(x5.at[i], buf)
            pltpu.sync_copy(c2.at[pl.ds(2 * i, 2)], cvec)
            cps = [cvec[h, pl.ds(16 * g, 16)]
                   for h in range(2) for g in range(8)]

            def per_tt(tt, carry2):
                for v2 in range(8):
                    acc = jnp.zeros((16,), jnp.float32)
                    for ph in range(2):
                        for pi in range(8):
                            acc = (acc + buf[ph, tt, pi, pl.ds(16 * v2, 16)]
                                   * cps[ph * 8 + pi])
                    outbuf[tt, pl.ds(16 * v2, 16)] = acc
                return carry2

            lax.fori_loop(0, _TT, per_tt, 0)
            pltpu.sync_copy(outbuf, out3.at[i])

        return carry

    lax.fori_loop(0, (_NI + _NW - 1) // _NW, per_item, 0)


def kernel(x, coef):
    num_trips, num_items, num_params = x.shape
    xt = jnp.transpose(x, (1, 2, 0))
    x5 = xt.reshape(num_items, 2, 8, _TT, 128).transpose(0, 1, 3, 2, 4)
    c2 = jnp.repeat(coef.reshape(num_items, num_params), 16,
                    axis=-1).reshape(2 * num_items, 128)

    mesh = plsc.VectorSubcoreMesh(core_axis_name="c", subcore_axis_name="s")
    run = functools.partial(
        pl.kernel,
        mesh=mesh,
        out_type=jax.ShapeDtypeStruct((num_items, _TT, 128), jnp.float32),
        scratch_types=[
            pltpu.VMEM((2, _TT, 8, 128), jnp.float32),
            pltpu.VMEM((2, 128), jnp.float32),
            pltpu.VMEM((_TT, 128), jnp.float32),
        ],
    )(_sc_body)
    out3 = run(x5, c2)
    return out3.reshape(num_items, num_trips).T

# --- scband reference (transcript-rebuilt; emitter-appended) ---
"""Pipeline reference for scband-coefficient-67456756351590 (READ-ONLY COPY).

The authoritative reference and input builder live on the scoring server;
editing this copy changes nothing except your own understanding.
"""

import jax, jax.numpy as jnp
import numpy as np

NUM_TRIPS = 4096
NUM_ITEMS = 1000
NUM_PARAMS = 16


def setup_inputs(seed: int = 0) -> dict:
    key = jax.random.key(seed)
    k1, k2 = jax.random.split(key)
    x = jax.random.normal(k1, (NUM_TRIPS, NUM_ITEMS, NUM_PARAMS), dtype=jnp.float32)
    # learned parameter: per-item coefficient table, variation='item'
    coef = jax.random.normal(k2, (NUM_ITEMS, NUM_PARAMS), dtype=jnp.float32)
    return {"x": x, "coef": coef}


def reference(x, coef):
    # variation == 'item': coef [num_items, num_params] broadcast over trips,
    # elementwise multiply with x and reduce over the feature dim.
    num_trips, num_items, num_feats = x.shape
    coef_b = jnp.broadcast_to(coef[None, :, :], (num_trips, num_items, num_feats))
    return (x * coef_b).sum(axis=-1)

if __name__ == "__main__":
    import jax
    _d = setup_inputs()
    print(jax.jit(kernel)(*tuple(_d.values())))

</pallas_src>

<mosaic_0001>
#map = affine_map<(d0, d1) -> (0, 0, 0, 0, 0)>
#map1 = affine_map<(d0, d1) -> (0, 0)>
#map2 = affine_map<(d0, d1) -> (0, 0, 0)>
module attributes {stable_mosaic.version = 14 : i64} {
  func.func @_sc_body(%arg0: i32, %arg1: i32, %arg2: memref<1000x2x32x8x128xf32, #tpu.memory_space<hbm>>, %arg3: memref<2000x128xf32, #tpu.memory_space<hbm>>, %arg4: memref<1000x32x128xf32, #tpu.memory_space<hbm>>, %arg5: memref<2x32x8x128xf32, #tpu.memory_space<vmem>>, %arg6: memref<2x128xf32, #tpu.memory_space<vmem>>, %arg7: memref<32x128xf32, #tpu.memory_space<vmem>>) attributes {dimension_semantics = [#tpu.dimension_semantics<core_parallel>, #tpu.dimension_semantics<subcore_parallel>], iteration_bounds = array<i64: 2, 16>, scalar_prefetch = 0 : i64, scratch_operands = 3 : i64, tpu.core_type = #tpu.core_type<sc_vector_subcore>, window_params = [{transform_indices = #map}, {transform_indices = #map1}, {transform_indices = #map2}]} {
    %mul3A = arith.constant 2 : i32
    %mul3A_0 = arith.muli %arg1, %mul3A : i32
    %add3A = arith.addi %mul3A_0, %arg0 : i32
    %scan3A = arith.constant 0 : i32
    %scan3A_1 = arith.constant 0 : i32
    %scan3A_2 = arith.constant 32 : i32
    %scan3A_3 = arith.addi %scan3A_1, %scan3A_2 : i32
    %scan3A_4 = arith.constant 1 : i32
    scf.for %scan3A_6 = %scan3A_1 to %scan3A_3 step %scan3A_4  : i32 {
      %mul3A_7 = arith.constant 32 : i32
      %mul3A_8 = arith.muli %mul3A_7, %scan3A_6 : i32
      %add3A_9 = arith.addi %add3A, %mul3A_8 : i32
      %lt3A = arith.constant 1000 : i32
      %lt3A_10 = arith.cmpi slt, %add3A_9, %lt3A : i32
      %convert_element_type3A = arith.extui %lt3A_10 : i1 to i32
      %cond3A = arith.constant 0 : i32
      %cond3A_11 = arith.cmpi ne, %convert_element_type3A, %cond3A : i32
      scf.if %cond3A_11 {
        "tpu.region"() ({
          %run_scoped3A = tpu.sem_alloc : memref<!tpu.dma_semaphore, #tpu.memory_space<semaphore_mem>>
          %dma_start3A = arith.constant 0 : i32
          %dma_start3A_99 = arith.constant 0 : i32
          %dma_start3A_100 = arith.constant 0 : i32
          %dma_start3A_101 = arith.constant 0 : i32
          %dma_start3A_102 = tpu.memref_slice %arg2[%add3A_9, %dma_start3A, %dma_start3A_99, %dma_start3A_100, %dma_start3A_101] : memref<1000x2x32x8x128xf32, #tpu.memory_space<hbm>> -> memref<1x2x32x8x128xf32, #tpu.memory_space<hbm>>
          %dma_start3A_103 = tpu.memref_squeeze %dma_start3A_102 : memref<1x2x32x8x128xf32, #tpu.memory_space<hbm>> -> memref<2x32x8x128xf32, #tpu.memory_space<hbm>>
          %dma_start3A_104 = arith.constant 0 : i32
          %dma_start3A_105 = arith.constant 0 : i32
          %dma_start3A_106 = arith.constant 0 : i32
          %dma_start3A_107 = arith.constant 0 : i32
          %dma_start3A_108 = tpu.memref_slice %arg2[%add3A_9, %dma_start3A_104, %dma_start3A_105, %dma_start3A_106, %dma_start3A_107] : memref<1000x2x32x8x128xf32, #tpu.memory_space<hbm>> -> memref<1x2x32x8x128xf32, #tpu.memory_space<hbm>>
          %dma_start3A_109 = tpu.memref_squeeze %dma_start3A_108 : memref<1x2x32x8x128xf32, #tpu.memory_space<hbm>> -> memref<2x32x8x128xf32, #tpu.memory_space<hbm>>
          tpu.enqueue_dma source(%dma_start3A_109 : memref<2x32x8x128xf32, #tpu.memory_space<hbm>>) target(%arg5 : memref<2x32x8x128xf32, #tpu.memory_space<vmem>>) target_semaphore(%run_scoped3A : memref<!tpu.dma_semaphore, #tpu.memory_space<semaphore_mem>>)
          %dma_wait3A = arith.constant 0 : i32
          %dma_wait3A_110 = arith.constant 0 : i32
          %dma_wait3A_111 = arith.constant 0 : i32
          %dma_wait3A_112 = arith.constant 0 : i32
          %dma_wait3A_113 = tpu.memref_slice %arg2[%add3A_9, %dma_wait3A, %dma_wait3A_110, %dma_wait3A_111, %dma_wait3A_112] : memref<1000x2x32x8x128xf32, #tpu.memory_space<hbm>> -> memref<1x2x32x8x128xf32, #tpu.memory_space<hbm>>
          %dma_wait3A_114 = tpu.memref_squeeze %dma_wait3A_113 : memref<1x2x32x8x128xf32, #tpu.memory_space<hbm>> -> memref<2x32x8x128xf32, #tpu.memory_space<hbm>>
          %dma_wait3A_115 = arith.constant 0 : i32
          %dma_wait3A_116 = arith.constant 0 : i32
          %dma_wait3A_117 = arith.constant 0 : i32
          %dma_wait3A_118 = arith.constant 0 : i32
          %dma_wait3A_119 = tpu.memref_slice %arg2[%add3A_9, %dma_wait3A_115, %dma_wait3A_116, %dma_wait3A_117, %dma_wait3A_118] : memref<1000x2x32x8x128xf32, #tpu.memory_space<hbm>> -> memref<1x2x32x8x128xf32, #tpu.memory_space<hbm>>
          %dma_wait3A_120 = tpu.memref_squeeze %dma_wait3A_119 : memref<1x2x32x8x128xf32, #tpu.memory_space<hbm>> -> memref<2x32x8x128xf32, #tpu.memory_space<hbm>>
          tpu.wait_dma2 semaphore(%run_scoped3A : memref<!tpu.dma_semaphore, #tpu.memory_space<semaphore_mem>>) src(%dma_wait3A_120 : memref<2x32x8x128xf32, #tpu.memory_space<hbm>>) dst(%arg5 : memref<2x32x8x128xf32, #tpu.memory_space<vmem>>)
          tpu.yield
        }) : () -> ()
        %mul3A_12 = arith.constant 2 : i32
        %mul3A_13 = arith.muli %mul3A_12, %add3A_9 : i32
        "tpu.region"() ({
          %run_scoped3A = tpu.sem_alloc : memref<!tpu.dma_semaphore, #tpu.memory_space<semaphore_mem>>
          %dma_start3A = arith.constant 0 : i32
          %dma_start3A_99 = tpu.memref_slice %arg3[%mul3A_13, %dma_start3A] : memref<2000x128xf32, #tpu.memory_space<hbm>> -> memref<2x128xf32, #tpu.memory_space<hbm>>
          %dma_start3A_100 = arith.constant 0 : i32
          %dma_start3A_101 = tpu.memref_slice %arg3[%mul3A_13, %dma_start3A_100] : memref<2000x128xf32, #tpu.memory_space<hbm>> -> memref<2x128xf32, #tpu.memory_space<hbm>>
          tpu.enqueue_dma source(%dma_start3A_101 : memref<2x128xf32, #tpu.memory_space<hbm>>) target(%arg6 : memref<2x128xf32, #tpu.memory_space<vmem>>) target_semaphore(%run_scoped3A : memref<!tpu.dma_semaphore, #tpu.memory_space<semaphore_mem>>)
          %dma_wait3A = arith.constant 0 : i32
          %dma_wait3A_102 = tpu.memref_slice %arg3[%mul3A_13, %dma_wait3A] : memref<2000x128xf32, #tpu.memory_space<hbm>> -> memref<2x128xf32, #tpu.memory_space<hbm>>
          %dma_wait3A_103 = arith.constant 0 : i32
          %dma_wait3A_104 = tpu.memref_slice %arg3[%mul3A_13, %dma_wait3A_103] : memref<2000x128xf32, #tpu.memory_space<hbm>> -> memref<2x128xf32, #tpu.memory_space<hbm>>
          tpu.wait_dma2 semaphore(%run_scoped3A : memref<!tpu.dma_semaphore, #tpu.memory_space<semaphore_mem>>) src(%dma_wait3A_104 : memref<2x128xf32, #tpu.memory_space<hbm>>) dst(%arg6 : memref<2x128xf32, #tpu.memory_space<vmem>>)
          tpu.yield
        }) : () -> ()
        %get3A = arith.constant 0 : i32
        %get3A_14 = arith.index_cast %get3A : i32 to index
        %get3A_15 = arith.constant 0 : index
        %get3A_16 = tpu.vector_load %arg6[%get3A_14, %get3A_15] {strides = array<i32>} : memref<2x128xf32, #tpu.memory_space<vmem>>, vector<1x16xf32>,
        %get3A_17 = vector.shape_cast %get3A_16 : vector<1x16xf32> to vector<16xf32>
        %get3A_18 = arith.constant 0 : i32
        %get3A_19 = arith.index_cast %get3A_18 : i32 to index
        %get3A_20 = arith.constant 16 : index
        %get3A_21 = tpu.vector_load %arg6[%get3A_19, %get3A_20] {strides = array<i32>} : memref<2x128xf32, #tpu.memory_space<vmem>>, vector<1x16xf32>,
        %get3A_22 = vector.shape_cast %get3A_21 : vector<1x16xf32> to vector<16xf32>
        %get3A_23 = arith.constant 0 : i32
        %get3A_24 = arith.index_cast %get3A_23 : i32 to index
        %get3A_25 = arith.constant 32 : index
        %get3A_26 = tpu.vector_load %arg6[%get3A_24, %get3A_25] {strides = array<i32>} : memref<2x128xf32, #tpu.memory_space<vmem>>, vector<1x16xf32>,
        %get3A_27 = vector.shape_cast %get3A_26 : vector<1x16xf32> to vector<16xf32>
        %get3A_28 = arith.constant 0 : i32
        %get3A_29 = arith.index_cast %get3A_28 : i32 to index
        %get3A_30 = arith.constant 48 : index
        %get3A_31 = tpu.vector_load %arg6[%get3A_29, %get3A_30] {strides = array<i32>} : memref<2x128xf32, #tpu.memory_space<vmem>>, vector<1x16xf32>,
        %get3A_32 = vector.shape_cast %get3A_31 : vector<1x16xf32> to vector<16xf32>
        %get3A_33 = arith.constant 0 : i32
        %get3A_34 = arith.index_cast %get3A_33 : i32 to index
        %get3A_35 = arith.constant 64 : index
        %get3A_36 = tpu.vector_load %arg6[%get3A_34, %get3A_35] {strides = array<i32>} : memref<2x128xf32, #tpu.memory_space<vmem>>, vector<1x16xf32>,
        %get3A_37 = vector.shape_cast %get3A_36 : vector<1x16xf32> to vector<16xf32>
        %get3A_38 = arith.constant 0 : i32
        %get3A_39 = arith.index_cast %get3A_38 : i32 to index
        %get3A_40 = arith.constant 80 : index
        %get3A_41 = tpu.vector_load %arg6[%get3A_39, %get3A_40] {strides = array<i32>} : memref<2x128xf32, #tpu.memory_space<vmem>>, vector<1x16xf32>,
        %get3A_42 = vector.shape_cast %get3A_41 : vector<1x16xf32> to vector<16xf32>
        %get3A_43 = arith.constant 0 : i32
        %get3A_44 = arith.index_cast %get3A_43 : i32 to index
        %get3A_45 = arith.constant 96 : index
        %get3A_46 = tpu.vector_load %arg6[%get3A_44, %get3A_45] {strides = array<i32>} : memref<2x128xf32, #tpu.memory_space<vmem>>, vector<1x16xf32>,
        %get3A_47 = vector.shape_cast %get3A_46 : vector<1x16xf32> to vector<16xf32>
        %get3A_48 = arith.constant 0 : i32
        %get3A_49 = arith.index_cast %get3A_48 : i32 to index
        %get3A_50 = arith.constant 112 : index
        %get3A_51 = tpu.vector_load %arg6[%get3A_49, %get3A_50] {strides = array<i32>} : memref<2x128xf32, #tpu.memory_space<vmem>>, vector<1x16xf32>,
        %get3A_52 = vector.shape_cast %get3A_51 : vector<1x16xf32> to vector<16xf32>
        %get3A_53 = arith.constant 1 : i32
        %get3A_54 = arith.index_cast %get3A_53 : i32 to index
        %get3A_55 = arith.constant 0 : index
        %get3A_56 = tpu.vector_load %arg6[%get3A_54, %get3A_55] {strides = array<i32>} : memref<2x128xf32, #tpu.memory_space<vmem>>, vector<1x16xf32>,
        %get3A_57 = vector.shape_cast %get3A_56 : vector<1x16xf32> to vector<16xf32>
        %get3A_58 = arith.constant 1 : i32
        %get3A_59 = arith.index_cast %get3A_58 : i32 to index
        %get3A_60 = arith.constant 16 : index
        %get3A_61 = tpu.vector_load %arg6[%get3A_59, %get3A_60] {strides = array<i32>} : memref<2x128xf32, #tpu.memory_space<vmem>>, vector<1x16xf32>,
        %get3A_62 = vector.shape_cast %get3A_61 : vector<1x16xf32> to vector<16xf32>
        %get3A_63 = arith.constant 1 : i32
        %get3A_64 = arith.index_cast %get3A_63 : i32 to index
        %get3A_65 = arith.constant 32 : index
        %get3A_66 = tpu.vector_load %arg6[%get3A_64, %get3A_65] {strides = array<i32>} : memref<2x128xf32, #tpu.memory_space<vmem>>, vector<1x16xf32>,
        %get3A_67 = vector.shape_cast %get3A_66 : vector<1x16xf32> to vector<16xf32>
        %get3A_68 = arith.constant 1 : i32
        %get3A_69 = arith.index_cast %get3A_68 : i32 to index
        %get3A_70 = arith.constant 48 : index
        %get3A_71 = tpu.vector_load %arg6[%get3A_69, %get3A_70] {strides = array<i32>} : memref<2x128xf32, #tpu.memory_space<vmem>>, vector<1x16xf32>,
        %get3A_72 = vector.shape_cast %get3A_71 : vector<1x16xf32> to vector<16xf32>
        %get3A_73 = arith.constant 1 : i32
        %get3A_74 = arith.index_cast %get3A_73 : i32 to index
        %get3A_75 = arith.constant 64 : index
        %get3A_76 = tpu.vector_load %arg6[%get3A_74, %get3A_75] {strides = array<i32>} : memref<2x128xf32, #tpu.memory_space<vmem>>, vector<1x16xf32>,
        %get3A_77 = vector.shape_cast %get3A_76 : vector<1x16xf32> to vector<16xf32>
        %get3A_78 = arith.constant 1 : i32
        %get3A_79 = arith.index_cast %get3A_78 : i32 to index
        %get3A_80 = arith.constant 80 : index
        %get3A_81 = tpu.vector_load %arg6[%get3A_79, %get3A_80] {strides = array<i32>} : memref<2x128xf32, #tpu.memory_space<vmem>>, vector<1x16xf32>,
        %get3A_82 = vector.shape_cast %get3A_81 : vector<1x16xf32> to vector<16xf32>
        %get3A_83 = arith.constant 1 : i32
        %get3A_84 = arith.index_cast %get3A_83 : i32 to index
        %get3A_85 = arith.constant 96 : index
        %get3A_86 = tpu.vector_load %arg6[%get3A_84, %get3A_85] {strides = array<i32>} : memref<2x128xf32, #tpu.memory_space<vmem>>, vector<1x16xf32>,
        %get3A_87 = vector.shape_cast %get3A_86 : vector<1x16xf32> to vector<16xf32>
        %get3A_88 = arith.constant 1 : i32
        %get3A_89 = arith.index_cast %get3A_88 : i32 to index
        %get3A_90 = arith.constant 112 : index
        %get3A_91 = tpu.vector_load %arg6[%get3A_89, %get3A_90] {strides = array<i32>} : memref<2x128xf32, #tpu.memory_space<vmem>>, vector<1x16xf32>,
        %get3A_92 = vector.shape_cast %get3A_91 : vector<1x16xf32> to vector<16xf32>
        %scan3A_93 = arith.constant 0 : i32
        %scan3A_94 = arith.constant 0 : i32
        %scan3A_95 = arith.constant 32 : i32
        %scan3A_96 = arith.addi %scan3A_94, %scan3A_95 : i32
        %scan3A_97 = arith.constant 1 : i32
        scf.for %scan3A_99 = %scan3A_94 to %scan3A_96 step %scan3A_97  : i32 {
          %broadcast_in_dim3A = arith.constant 0.000000e+00 : f32
          %broadcast_in_dim3A_100 = vector.broadcast %broadcast_in_dim3A : f32 to vector<16xf32>
          %get3A_101 = arith.constant 0 : i32
          %get3A_102 = arith.constant 0 : i32
          %get3A_103 = arith.index_cast %get3A_101 : i32 to index
          %get3A_104 = arith.index_cast %scan3A_99 : i32 to index
          %get3A_105 = arith.index_cast %get3A_102 : i32 to index
          %get3A_106 = arith.constant 0 : index
          %get3A_107 = tpu.vector_load %arg5[%get3A_103, %get3A_104, %get3A_105, %get3A_106] {strides = array<i32>} : memref<2x32x8x128xf32, #tpu.memory_space<vmem>>, vector<1x1x1x16xf32>,
          %get3A_108 = vector.shape_cast %get3A_107 : vector<1x1x1x16xf32> to vector<16xf32>
          %mul3A_109 = arith.mulf %get3A_108, %get3A_17 : vector<16xf32>
          %add3A_110 = arith.addf %broadcast_in_dim3A_100, %mul3A_109 : vector<16xf32>
          %get3A_111 = arith.constant 0 : i32
          %get3A_112 = arith.constant 1 : i32
          %get3A_113 = arith.index_cast %get3A_111 : i32 to index
          %get3A_114 = arith.index_cast %scan3A_99 : i32 to index
          %get3A_115 = arith.index_cast %get3A_112 : i32 to index
          %get3A_116 = arith.constant 0 : index
          %get3A_117 = tpu.vector_load %arg5[%get3A_113, %get3A_114, %get3A_115, %get3A_116] {strides = array<i32>} : memref<2x32x8x128xf32, #tpu.memory_space<vmem>>, vector<1x1x1x16xf32>,
          %get3A_118 = vector.shape_cast %get3A_117 : vector<1x1x1x16xf32> to vector<16xf32>
          %mul3A_119 = arith.mulf %get3A_118, %get3A_22 : vector<16xf32>
          %add3A_120 = arith.addf %add3A_110, %mul3A_119 : vector<16xf32>
          %get3A_121 = arith.constant 0 : i32
          %get3A_122 = arith.constant 2 : i32
          %get3A_123 = arith.index_cast %get3A_121 : i32 to index
          %get3A_124 = arith.index_cast %scan3A_99 : i32 to index
          %get3A_125 = arith.index_cast %get3A_122 : i32 to index
          %get3A_126 = arith.constant 0 : index
          %get3A_127 = tpu.vector_load %arg5[%get3A_123, %get3A_124, %get3A_125, %get3A_126] {strides = array<i32>} : memref<2x32x8x128xf32, #tpu.memory_space<vmem>>, vector<1x1x1x16xf32>,
          %get3A_128 = vector.shape_cast %get3A_127 : vector<1x1x1x16xf32> to vector<16xf32>
          %mul3A_129 = arith.mulf %get3A_128, %get3A_27 : vector<16xf32>
          %add3A_130 = arith.addf %add3A_120, %mul3A_129 : vector<16xf32>
          %get3A_131 = arith.constant 0 : i32
          %get3A_132 = arith.constant 3 : i32
          %get3A_133 = arith.index_cast %get3A_131 : i32 to index
          %get3A_134 = arith.index_cast %scan3A_99 : i32 to index
          %get3A_135 = arith.index_cast %get3A_132 : i32 to index
          %get3A_136 = arith.constant 0 : index
          %get3A_137 = tpu.vector_load %arg5[%get3A_133, %get3A_134, %get3A_135, %get3A_136] {strides = array<i32>} : memref<2x32x8x128xf32, #tpu.memory_space<vmem>>, vector<1x1x1x16xf32>,
          %get3A_138 = vector.shape_cast %get3A_137 : vector<1x1x1x16xf32> to vector<16xf32>
          %mul3A_139 = arith.mulf %get3A_138, %get3A_32 : vector<16xf32>
          %add3A_140 = arith.addf %add3A_130, %mul3A_139 : vector<16xf32>
          %get3A_141 = arith.constant 0 : i32
          %get3A_142 = arith.constant 4 : i32
          %get3A_143 = arith.index_cast %get3A_141 : i32 to index
          %get3A_144 = arith.index_cast %scan3A_99 : i32 to index
          %get3A_145 = arith.index_cast %get3A_142 : i32 to index
          %get3A_146 = arith.constant 0 : index
          %get3A_147 = tpu.vector_load %arg5[%get3A_143, %get3A_144, %get3A_145, %get3A_146] {strides = array<i32>} : memref<2x32x8x128xf32, #tpu.memory_space<vmem>>, vector<1x1x1x16xf32>,
          %get3A_148 = vector.shape_cast %get3A_147 : vector<1x1x1x16xf32> to vector<16xf32>
          %mul3A_149 = arith.mulf %get3A_148, %get3A_37 : vector<16xf32>
          %add3A_150 = arith.addf %add3A_140, %mul3A_149 : vector<16xf32>
          %get3A_151 = arith.constant 0 : i32
          %get3A_152 = arith.constant 5 : i32
          %get3A_153 = arith.index_cast %get3A_151 : i32 to index
          %get3A_154 = arith.index_cast %scan3A_99 : i32 to index
          %get3A_155 = arith.index_cast %get3A_152 : i32 to index
          %get3A_156 = arith.constant 0 : index
          %get3A_157 = tpu.vector_load %arg5[%get3A_153, %get3A_154, %get3A_155, %get3A_156] {strides = array<i32>} : memref<2x32x8x128xf32, #tpu.memory_space<vmem>>, vector<1x1x1x16xf32>,
          %get3A_158 = vector.shape_cast %get3A_157 : vector<1x1x1x16xf32> to vector<16xf32>
          %mul3A_159 = arith.mulf %get3A_158, %get3A_42 : vector<16xf32>
          %add3A_160 = arith.addf %add3A_150, %mul3A_159 : vector<16xf32>
          %get3A_161 = arith.constant 0 : i32
          %get3A_162 = arith.constant 6 : i32
          %get3A_163 = arith.index_cast %get3A_161 : i32 to index
          %get3A_164 = arith.index_cast %scan3A_99 : i32 to index
          %get3A_165 = arith.index_cast %get3A_162 : i32 to index
          %get3A_166 = arith.constant 0 : index
          %get3A_167 = tpu.vector_load %arg5[%get3A_163, %get3A_164, %get3A_165, %get3A_166] {strides = array<i32>} : memref<2x32x8x128xf32, #tpu.memory_space<vmem>>, vector<1x1x1x16xf32>,
          %get3A_168 = vector.shape_cast %get3A_167 : vector<1x1x1x16xf32> to vector<16xf32>
          %mul3A_169 = arith.mulf %get3A_168, %get3A_47 : vector<16xf32>
          %add3A_170 = arith.addf %add3A_160, %mul3A_169 : vector<16xf32>
          %get3A_171 = arith.constant 0 : i32
          %get3A_172 = arith.constant 7 : i32
          %get3A_173 = arith.index_cast %get3A_171 : i32 to index
          %get3A_174 = arith.index_cast %scan3A_99 : i32 to index
          %get3A_175 = arith.index_cast %get3A_172 : i32 to index
          %get3A_176 = arith.constant 0 : index
          %get3A_177 = tpu.vector_load %arg5[%get3A_173, %get3A_174, %get3A_175, %get3A_176] {strides = array<i32>} : memref<2x32x8x128xf32, #tpu.memory_space<vmem>>, vector<1x1x1x16xf32>,
          %get3A_178 = vector.shape_cast %get3A_177 : vector<1x1x1x16xf32> to vector<16xf32>
          %mul3A_179 = arith.mulf %get3A_178, %get3A_52 : vector<16xf32>
          %add3A_180 = arith.addf %add3A_170, %mul3A_179 : vector<16xf32>
          %get3A_181 = arith.constant 1 : i32
          %get3A_182 = arith.constant 0 : i32
          %get3A_183 = arith.index_cast %get3A_181 : i32 to index
          %get3A_184 = arith.index_cast %scan3A_99 : i32 to index
          %get3A_185 = arith.index_cast %get3A_182 : i32 to index
          %get3A_186 = arith.constant 0 : index
          %get3A_187 = tpu.vector_load %arg5[%get3A_183, %get3A_184, %get3A_185, %get3A_186] {strides = array<i32>} : memref<2x32x8x128xf32, #tpu.memory_space<vmem>>, vector<1x1x1x16xf32>,
          %get3A_188 = vector.shape_cast %get3A_187 : vector<1x1x1x16xf32> to vector<16xf32>
          %mul3A_189 = arith.mulf %get3A_188, %get3A_57 : vector<16xf32>
          %add3A_190 = arith.addf %add3A_180, %mul3A_189 : vector<16xf32>
          %get3A_191 = arith.constant 1 : i32
          %get3A_192 = arith.constant 1 : i32
          %get3A_193 = arith.index_cast %get3A_191 : i32 to index
          %get3A_194 = arith.index_cast %scan3A_99 : i32 to index
          %get3A_195 = arith.index_cast %get3A_192 : i32 to index
          %get3A_196 = arith.constant 0 : index
          %get3A_197 = tpu.vector_load %arg5[%get3A_193, %get3A_194, %get3A_195, %get3A_196] {strides = array<i32>} : memref<2x32x8x128xf32, #tpu.memory_space<vmem>>, vector<1x1x1x16xf32>,
          %get3A_198 = vector.shape_cast %get3A_197 : vector<1x1x1x16xf32> to vector<16xf32>
          %mul3A_199 = arith.mulf %get3A_198, %get3A_62 : vector<16xf32>
          %add3A_200 = arith.addf %add3A_190, %mul3A_199 : vector<16xf32>
          %get3A_201 = arith.constant 1 : i32
          %get3A_202 = arith.constant 2 : i32
          %get3A_203 = arith.index_cast %get3A_201 : i32 to index
          %get3A_204 = arith.index_cast %scan3A_99 : i32 to index
          %get3A_205 = arith.index_cast %get3A_202 : i32 to index
          %get3A_206 = arith.constant 0 : index
          %get3A_207 = tpu.vector_load %arg5[%get3A_203, %get3A_204, %get3A_205, %get3A_206] {strides = array<i32>} : memref<2x32x8x128xf32, #tpu.memory_space<vmem>>, vector<1x1x1x16xf32>,
          %get3A_208 = vector.shape_cast %get3A_207 : vector<1x1x1x16xf32> to vector<16xf32>
          %mul3A_209 = arith.mulf %get3A_208, %get3A_67 : vector<16xf32>
          %add3A_210 = arith.addf %add3A_200, %mul3A_209 : vector<16xf32>
          %get3A_211 = arith.constant 1 : i32
          %get3A_212 = arith.constant 3 : i32
          %get3A_213 = arith.index_cast %get3A_211 : i32 to index
          %get3A_214 = arith.index_cast %scan3A_99 : i32 to index
          %get3A_215 = arith.index_cast %get3A_212 : i32 to index
          %get3A_216 = arith.constant 0 : index
          %get3A_217 = tpu.vector_load %arg5[%get3A_213, %get3A_214, %get3A_215, %get3A_216] {strides = array<i32>} : memref<2x32x8x128xf32, #tpu.memory_space<vmem>>, vector<1x1x1x16xf32>,
          %get3A_218 = vector.shape_cast %get3A_217 : vector<1x1x1x16xf32> to vector<16xf32>
          %mul3A_219 = arith.mulf %get3A_218, %get3A_72 : vector<16xf32>
          %add3A_220 = arith.addf %add3A_210, %mul3A_219 : vector<16xf32>
          %get3A_221 = arith.constant 1 : i32
          %get3A_222 = arith.constant 4 : i32
          %get3A_223 = arith.index_cast %get3A_221 : i32 to index
          %get3A_224 = arith.index_cast %scan3A_99 : i32 to index
          %get3A_225 = arith.index_cast %get3A_222 : i32 to index
          %get3A_226 = arith.constant 0 : index
          %get3A_227 = tpu.vector_load %arg5[%get3A_223, %get3A_224, %get3A_225, %get3A_226] {strides = array<i32>} : memref<2x32x8x128xf32, #tpu.memory_space<vmem>>, vector<1x1x1x16xf32>,
          %get3A_228 = vector.shape_cast %get3A_227 : vector<1x1x1x16xf32> to vector<16xf32>
          %mul3A_229 = arith.mulf %get3A_228, %get3A_77 : vector<16xf32>
          %add3A_230 = arith.addf %add3A_220, %mul3A_229 : vector<16xf32>
          %get3A_231 = arith.constant 1 : i32
          %get3A_232 = arith.constant 5 : i32
          %get3A_233 = arith.index_cast %get3A_231 : i32 to index
          %get3A_234 = arith.index_cast %scan3A_99 : i32 to index
          %get3A_235 = arith.index_cast %get3A_232 : i32 to index
          %get3A_236 = arith.constant 0 : index
          %get3A_237 = tpu.vector_load %arg5[%get3A_233, %get3A_234, %get3A_235, %get3A_236] {strides = array<i32>} : memref<2x32x8x128xf32, #tpu.memory_space<vmem>>, vector<1x1x1x16xf32>,
          %get3A_238 = vector.shape_cast %get3A_237 : vector<1x1x1x16xf32> to vector<16xf32>
          %mul3A_239 = arith.mulf %get3A_238, %get3A_82 : vector<16xf32>
          %add3A_240 = arith.addf %add3A_230, %mul3A_239 : vector<16xf32>
          %get3A_241 = arith.constant 1 : i32
          %get3A_242 = arith.constant 6 : i32
          %get3A_243 = arith.index_cast %get3A_241 : i32 to index
          %get3A_244 = arith.index_cast %scan3A_99 : i32 to index
          %get3A_245 = arith.index_cast %get3A_242 : i32 to index
          %get3A_246 = arith.constant 0 : index
          %get3A_247 = tpu.vector_load %arg5[%get3A_243, %get3A_244, %get3A_245, %get3A_246] {strides = array<i32>} : memref<2x32x8x128xf32, #tpu.memory_space<vmem>>, vector<1x1x1x16xf32>,
          %get3A_248 = vector.shape_cast %get3A_247 : vector<1x1x1x16xf32> to vector<16xf32>
          %mul3A_249 = arith.mulf %get3A_248, %get3A_87 : vector<16xf32>
          %add3A_250 = arith.addf %add3A_240, %mul3A_249 : vector<16xf32>
          %get3A_251 = arith.constant 1 : i32
          %get3A_252 = arith.constant 7 : i32
          %get3A_253 = arith.index_cast %get3A_251 : i32 to index
          %get3A_254 = arith.index_cast %scan3A_99 : i32 to index
          %get3A_255 = arith.index_cast %get3A_252 : i32 to index
          %get3A_256 = arith.constant 0 : index
          %get3A_257 = tpu.vector_load %arg5[%get3A_253, %get3A_254, %get3A_255, %get3A_256] {strides = array<i32>} : memref<2x32x8x128xf32, #tpu.memory_space<vmem>>, vector<1x1x1x16xf32>,
          %get3A_258 = vector.shape_cast %get3A_257 : vector<1x1x1x16xf32> to vector<16xf32>
          %mul3A_259 = arith.mulf %get3A_258, %get3A_92 : vector<16xf32>
          %add3A_260 = arith.addf %add3A_250, %mul3A_259 : vector<16xf32>
          %swap3A = arith.index_cast %scan3A_99 : i32 to index
          %swap3A_261 = arith.constant 0 : index
          %swap3A_262 = tpu.vector_load %arg7[%swap3A, %swap3A_261] {strides = array<i32>} : memref<32x128xf32, #tpu.memory_space<vmem>>, vector<1x16xf32>,
          %swap3A_263 = vector.shape_cast %swap3A_262 : vector<1x16xf32> to vector<16xf32>
          %swap3A_264 = vector.shape_cast %add3A_260 : vector<16xf32> to vector<1x16xf32>
          tpu.vector_store %arg7[%swap3A, %swap3A_261], %swap3A_264 {strides = array<i32>} : memref<32x128xf32, #tpu.memory_space<vmem>>, vector<1x16xf32>,
          %broadcast_in_dim3A_265 = arith.constant 0.000000e+00 : f32
          %broadcast_in_dim3A_266 = vector.broadcast %broadcast_in_dim3A_265 : f32 to vector<16xf32>
          %get3A_267 = arith.constant 0 : i32
          %get3A_268 = arith.constant 0 : i32
          %get3A_269 = arith.index_cast %get3A_267 : i32 to index
          %get3A_270 = arith.index_cast %scan3A_99 : i32 to index
          %get3A_271 = arith.index_cast %get3A_268 : i32 to index
          %get3A_272 = arith.constant 16 : index
          %get3A_273 = tpu.vector_load %arg5[%get3A_269, %get3A_270, %get3A_271, %get3A_272] {strides = array<i32>} : memref<2x32x8x128xf32, #tpu.memory_space<vmem>>, vector<1x1x1x16xf32>,
          %get3A_274 = vector.shape_cast %get3A_273 : vector<1x1x1x16xf32> to vector<16xf32>
          %mul3A_275 = arith.mulf %get3A_274, %get3A_17 : vector<16xf32>
          %add3A_276 = arith.addf %broadcast_in_dim3A_266, %mul3A_275 : vector<16xf32>
          %get3A_277 = arith.constant 0 : i32
          %get3A_278 = arith.constant 1 : i32
          %get3A_279 = arith.index_cast %get3A_277 : i32 to index
          %get3A_280 = arith.index_cast %scan3A_99 : i32 to index
          %get3A_281 = arith.index_cast %get3A_278 : i32 to index
          %get3A_282 = arith.constant 16 : index
          %get3A_283 = tpu.vector_load %arg5[%get3A_279, %get3A_280, %get3A_281, %get3A_282] {strides = array<i32>} : memref<2x32x8x128xf32, #tpu.memory_space<vmem>>, vector<1x1x1x16xf32>,
          %get3A_284 = vector.shape_cast %get3A_283 : vector<1x1x1x16xf32> to vector<16xf32>
          %mul3A_285 = arith.mulf %get3A_284, %get3A_22 : vector<16xf32>
          %add3A_286 = arith.addf %add3A_276, %mul3A_285 : vector<16xf32>
          %get3A_287 = arith.constant 0 : i32
          %get3A_288 = arith.constant 2 : i32
          %get3A_289 = arith.index_cast %get3A_287 : i32 to index
          %get3A_290 = arith.index_cast %scan3A_99 : i32 to index
          %get3A_291 = arith.index_cast %get3A_288 : i32 to index
          %get3A_292 = arith.constant 16 : index
          %get3A_293 = tpu.vector_load %arg5[%get3A_289, %get3A_290, %get3A_291, %get3A_292] {strides = array<i32>} : memref<2x32x8x128xf32, #tpu.memory_space<vmem>>, vector<1x1x1x16xf32>,
          %get3A_294 = vector.shape_cast %get3A_293 : vector<1x1x1x16xf32> to vector<16xf32>
          %mul3A_295 = arith.mulf %get3A_294, %get3A_27 : vector<16xf32>
          %add3A_296 = arith.addf %add3A_286, %mul3A_295 : vector<16xf32>
          %get3A_297 = arith.constant 0 : i32
          %get3A_298 = arith.constant 3 : i32
          %get3A_299 = arith.index_cast %get3A_297 : i32 to index
          %get3A_300 = arith.index_cast %scan3A_99 : i32 to index
          %get3A_301 = arith.index_cast %get3A_298 : i32 to index
          %get3A_302 = arith.constant 16 : index
          %get3A_303 = tpu.vector_load %arg5[%get3A_299, %get3A_300, %get3A_301, %get3A_302] {strides = array<i32>} : memref<2x32x8x128xf32, #tpu.memory_space<vmem>>, vector<1x1x1x16xf32>,
          %get3A_304 = vector.shape_cast %get3A_303 : vector<1x1x1x16xf32> to vector<16xf32>
          %mul3A_305 = arith.mulf %get3A_304, %get3A_32 : vector<16xf32>
          %add3A_306 = arith.addf %add3A_296, %mul3A_305 : vector<16xf32>
          %get3A_307 = arith.constant 0 : i32
          %get3A_308 = arith.constant 4 : i32
          %get3A_309 = arith.index_cast %get3A_307 : i32 to index
          %get3A_310 = arith.index_cast %scan3A_99 : i32 to index
          %get3A_311 = arith.index_cast %get3A_308 : i32 to index
          %get3A_312 = arith.constant 16 : index
          %get3A_313 = tpu.vector_load %arg5[%get3A_309, %get3A_310, %get3A_311, %get3A_312] {strides = array<i32>} : memref<2x32x8x128xf32, #tpu.memory_space<vmem>>, vector<1x1x1x16xf32>,
          %get3A_314 = vector.shape_cast %get3A_313 : vector<1x1x1x16xf32> to vector<16xf32>
          %mul3A_315 = arith.mulf %get3A_314, %get3A_37 : vector<16xf32>
          %add3A_316 = arith.addf %add3A_306, %mul3A_315 : vector<16xf32>
          %get3A_317 = arith.constant 0 : i32
          %get3A_318 = arith.constant 5 : i32
          %get3A_319 = arith.index_cast %get3A_317 : i32 to index
          %get3A_320 = arith.index_cast %scan3A_99 : i32 to index
          %get3A_321 = arith.index_cast %get3A_318 : i32 to index
          %get3A_322 = arith.constant 16 : index
          %get3A_323 = tpu.vector_load %arg5[%get3A_319, %get3A_320, %get3A_321, %get3A_322] {strides = array<i32>} : memref<2x32x8x128xf32, #tpu.memory_space<vmem>>, vector<1x1x1x16xf32>,
          %get3A_324 = vector.shape_cast %get3A_323 : vector<1x1x1x16xf32> to vector<16xf32>
          %mul3A_325 = arith.mulf %get3A_324, %get3A_42 : vector<16xf32>
          %add3A_326 = arith.addf %add3A_316, %mul3A_325 : vector<16xf32>
          %get3A_327 = arith.constant 0 : i32
          %get3A_328 = arith.constant 6 : i32
          %get3A_329 = arith.index_cast %get3A_327 : i32 to index
          %get3A_330 = arith.index_cast %scan3A_99 : i32 to index
          %get3A_331 = arith.index_cast %get3A_328 : i32 to index
          %get3A_332 = arith.constant 16 : index
          %get3A_333 = tpu.vector_load %arg5[%get3A_329, %get3A_330, %get3A_331, %get3A_332] {strides = array<i32>} : memref<2x32x8x128xf32, #tpu.memory_space<vmem>>, vector<1x1x1x16xf32>,
          %get3A_334 = vector.shape_cast %get3A_333 : vector<1x1x1x16xf32> to vector<16xf32>
          %mul3A_335 = arith.mulf %get3A_334, %get3A_47 : vector<16xf32>
          %add3A_336 = arith.addf %add3A_326, %mul3A_335 : vector<16xf32>
          %get3A_337 = arith.constant 0 : i32
          %get3A_338 = arith.constant 7 : i32
          %get3A_339 = arith.index_cast %get3A_337 : i32 to index
          %get3A_340 = arith.index_cast %scan3A_99 : i32 to index
          %get3A_341 = arith.index_cast %get3A_338 : i32 to index
          %get3A_342 = arith.constant 16 : index
          %get3A_343 = tpu.vector_load %arg5[%get3A_339, %get3A_340, %get3A_341, %get3A_342] {strides = array<i32>} : memref<2x32x8x128xf32, #tpu.memory_space<vmem>>, vector<1x1x1x16xf32>,
          %get3A_344 = vector.shape_cast %get3A_343 : vector<1x1x1x16xf32> to vector<16xf32>
          %mul3A_345 = arith.mulf %get3A_344, %get3A_52 : vector<16xf32>
          %add3A_346 = arith.addf %add3A_336, %mul3A_345 : vector<16xf32>
          %get3A_347 = arith.constant 1 : i32
          %get3A_348 = arith.constant 0 : i32
          %get3A_349 = arith.index_cast %get3A_347 : i32 to index
          %get3A_350 = arith.index_cast %scan3A_99 : i32 to index
          %get3A_351 = arith.index_cast %get3A_348 : i32 to index
          %get3A_352 = arith.constant 16 : index
          %get3A_353 = tpu.vector_load %arg5[%get3A_349, %get3A_350, %get3A_351, %get3A_352] {strides = array<i32>} : memref<2x32x8x128xf32, #tpu.memory_space<vmem>>, vector<1x1x1x16xf32>,
          %get3A_354 = vector.shape_cast %get3A_353 : vector<1x1x1x16xf32> to vector<16xf32>
          %mul3A_355 = arith.mulf %get3A_354, %get3A_57 : vector<16xf32>
          %add3A_356 = arith.addf %add3A_346, %mul3A_355 : vector<16xf32>
          %get3A_357 = arith.constant 1 : i32
          %get3A_358 = arith.constant 1 : i32
          %get3A_359 = arith.index_cast %get3A_357 : i32 to index
          %get3A_360 = arith.index_cast %scan3A_99 : i32 to index
          %get3A_361 = arith.index_cast %get3A_358 : i32 to index
          %get3A_362 = arith.constant 16 : index
          %get3A_363 = tpu.vector_load %arg5[%get3A_359, %get3A_360, %get3A_361, %get3A_362] {strides = array<i32>} : memref<2x32x8x128xf32, #tpu.memory_space<vmem>>, vector<1x1x1x16xf32>,
          %get3A_364 = vector.shape_cast %get3A_363 : vector<1x1x1x16xf32> to vector<16xf32>
          %mul3A_365 = arith.mulf %get3A_364, %get3A_62 : vector<16xf32>
          %add3A_366 = arith.addf %add3A_356, %mul3A_365 : vector<16xf32>
          %get3A_367 = arith.constant 1 : i32
          %get3A_368 = arith.constant 2 : i32
          %get3A_369 = arith.index_cast %get3A_367 : i32 to index
          %get3A_370 = arith.index_cast %scan3A_99 : i32 to index
          %get3A_371 = arith.index_cast %get3A_368 : i32 to index
          %get3A_372 = arith.constant 16 : index
          %get3A_373 = tpu.vector_load %arg5[%get3A_369, %get3A_370, %get3A_371, %get3A_372] {strides = array<i32>} : memref<2x32x8x128xf32, #tpu.memory_space<vmem>>, vector<1x1x1x16xf32>,
          %get3A_374 = vector.shape_cast %get3A_373 : vector<1x1x1x16xf32> to vector<16xf32>
          %mul3A_375 = arith.mulf %get3A_374, %get3A_67 : vector<16xf32>
          %add3A_376 = arith.addf %add3A_366, %mul3A_375 : vector<16xf32>
          %get3A_377 = arith.constant 1 : i32
          %get3A_378 = arith.constant 3 : i32
          %get3A_379 = arith.index_cast %get3A_377 : i32 to index
          %get3A_380 = arith.index_cast %scan3A_99 : i32 to index
          %get3A_381 = arith.index_cast %get3A_378 : i32 to index
          %get3A_382 = arith.constant 16 : index
          %get3A_383 = tpu.vector_load %arg5[%get3A_379, %get3A_380, %get3A_381, %get3A_382] {strides = array<i32>} : memref<2x32x8x128xf32, #tpu.memory_space<vmem>>, vector<1x1x1x16xf32>,
          %get3A_384 = vector.shape_cast %get3A_383 : vector<1x1x1x16xf32> to vector<16xf32>
          %mul3A_385 = arith.mulf %get3A_384, %get3A_72 : vector<16xf32>
          %add3A_386 = arith.addf %add3A_376, %mul3A_385 : vector<16xf32>
          %get3A_387 = arith.constant 1 : i32
          %get3A_388 = arith.constant 4 : i32
          %get3A_389 = arith.index_cast %get3A_387 : i32 to index
          %get3A_390 = arith.index_cast %scan3A_99 : i32 to index
          %get3A_391 = arith.index_cast %get3A_388 : i32 to index
          %get3A_392 = arith.constant 16 : index
          %get3A_393 = tpu.vector_load %arg5[%get3A_389, %get3A_390, %get3A_391, %get3A_392] {strides = array<i32>} : memref<2x32x8x128xf32, #tpu.memory_space<vmem>>, vector<1x1x1x16xf32>,
          %get3A_394 = vector.shape_cast %get3A_393 : vector<1x1x1x16xf32> to vector<16xf32>
          %mul3A_395 = arith.mulf %get3A_394, %get3A_77 : vector<16xf32>
          %add3A_396 = arith.addf %add3A_386, %mul3A_395 : vector<16xf32>
          %get3A_397 = arith.constant 1 : i32
          %get3A_398 = arith.constant 5 : i32
          %get3A_399 = arith.index_cast %get3A_397 : i32 to index
          %get3A_400 = arith.index_cast %scan3A_99 : i32 to index
          %get3A_401 = arith.index_cast %get3A_398 : i32 to index
          %get3A_402 = arith.constant 16 : index
          %get3A_403 = tpu.vector_load %arg5[%get3A_399, %get3A_400, %get3A_401, %get3A_402] {strides = array<i32>} : memref<2x32x8x128xf32, #tpu.memory_space<vmem>>, vector<1x1x1x16xf32>,
          %get3A_404 = vector.shape_cast %get3A_403 : vector<1x1x1x16xf32> to vector<16xf32>
          %mul3A_405 = arith.mulf %get3A_404, %get3A_82 : vector<16xf32>
          %add3A_406 = arith.addf %add3A_396, %mul3A_405 : vector<16xf32>
          %get3A_407 = arith.constant 1 : i32
          %get3A_408 = arith.constant 6 : i32
          %get3A_409 = arith.index_cast %get3A_407 : i32 to index
          %get3A_410 = arith.index_cast %scan3A_99 : i32 to index
          %get3A_411 = arith.index_cast %get3A_408 : i32 to index
          %get3A_412 = arith.constant 16 : index
          %get3A_413 = tpu.vector_load %arg5[%get3A_409, %get3A_410, %get3A_411, %get3A_412] {strides = array<i32>} : memref<2x32x8x128xf32, #tpu.memory_space<vmem>>, vector<1x1x1x16xf32>,
          %get3A_414 = vector.shape_cast %get3A_413 : vector<1x1x1x16xf32> to vector<16xf32>
          %mul3A_415 = arith.mulf %get3A_414, %get3A_87 : vector<16xf32>
          %add3A_416 = arith.addf %add3A_406, %mul3A_415 : vector<16xf32>
          %get3A_417 = arith.constant 1 : i32
          %get3A_418 = arith.constant 7 : i32
          %get3A_419 = arith.index_cast %get3A_417 : i32 to index
          %get3A_420 = arith.index_cast %scan3A_99 : i32 to index
          %get3A_421 = arith.index_cast %get3A_418 : i32 to index
          %get3A_422 = arith.constant 16 : index
          %get3A_423 = tpu.vector_load %arg5[%get3A_419, %get3A_420, %get3A_421, %get3A_422] {strides = array<i32>} : memref<2x32x8x128xf32, #tpu.memory_space<vmem>>, vector<1x1x1x16xf32>,
          %get3A_424 = vector.shape_cast %get3A_423 : vector<1x1x1x16xf32> to vector<16xf32>
          %mul3A_425 = arith.mulf %get3A_424, %get3A_92 : vector<16xf32>
          %add3A_426 = arith.addf %add3A_416, %mul3A_425 : vector<16xf32>
          %swap3A_427 = arith.index_cast %scan3A_99 : i32 to index
          %swap3A_428 = arith.constant 16 : index
          %swap3A_429 = tpu.vector_load %arg7[%swap3A_427, %swap3A_428] {strides = array<i32>} : memref<32x128xf32, #tpu.memory_space<vmem>>, vector<1x16xf32>,
          %swap3A_430 = vector.shape_cast %swap3A_429 : vector<1x16xf32> to vector<16xf32>
          %swap3A_431 = vector.shape_cast %add3A_426 : vector<16xf32> to vector<1x16xf32>
          tpu.vector_store %arg7[%swap3A_427, %swap3A_428], %swap3A_431 {strides = array<i32>} : memref<32x128xf32, #tpu.memory_space<vmem>>, vector<1x16xf32>,
          %broadcast_in_dim3A_432 = arith.constant 0.000000e+00 : f32
          %broadcast_in_dim3A_433 = vector.broadcast %broadcast_in_dim3A_432 : f32 to vector<16xf32>
          %get3A_434 = arith.constant 0 : i32
          %get3A_435 = arith.constant 0 : i32
          %get3A_436 = arith.index_cast %get3A_434 : i32 to index
          %get3A_437 = arith.index_cast %scan3A_99 : i32 to index
          %get3A_438 = arith.index_cast %get3A_435 : i32 to index
          %get3A_439 = arith.constant 32 : index
          %get3A_440 = tpu.vector_load %arg5[%get3A_436, %get3A_437, %get3A_438, %get3A_439] {strides = array<i32>} : memref<2x32x8x128xf32, #tpu.memory_space<vmem>>, vector<1x1x1x16xf32>,
          %get3A_441 = vector.shape_cast %get3A_440 : vector<1x1x1x16xf32> to vector<16xf32>
          %mul3A_442 = arith.mulf %get3A_441, %get3A_17 : vector<16xf32>
          %add3A_443 = arith.addf %broadcast_in_dim3A_433, %mul3A_442 : vector<16xf32>
          %get3A_444 = arith.constant 0 : i32
          %get3A_445 = arith.constant 1 : i32
          %get3A_446 = arith.index_cast %get3A_444 : i32 to index
          %get3A_447 = arith.index_cast %scan3A_99 : i32 to index
          %get3A_448 = arith.index_cast %get3A_445 : i32 to index
          %get3A_449 = arith.constant 32 : index
          %get3A_450 = tpu.vector_load %arg5[%get3A_446, %get3A_447, %get3A_448, %get3A_449] {strides = array<i32>} : memref<2x32x8x128xf32, #tpu.memory_space<vmem>>, vector<1x1x1x16xf32>,
          %get3A_451 = vector.shape_cast %get3A_450 : vector<1x1x1x16xf32> to vector<16xf32>
          %mul3A_452 = arith.mulf %get3A_451, %get3A_22 : vector<16xf32>
          %add3A_453 = arith.addf %add3A_443, %mul3A_452 : vector<16xf32>
          %get3A_454 = arith.constant 0 : i32
          %get3A_455 = arith.constant 2 : i32
          %get3A_456 = arith.index_cast %get3A_454 : i32 to index
          %get3A_457 = arith.index_cast %scan3A_99 : i32 to index
          %get3A_458 = arith.index_cast %get3A_455 : i32 to index
          %get3A_459 = arith.constant 32 : index
          %get3A_460 = tpu.vector_load %arg5[%get3A_456, %get3A_457, %get3A_458, %get3A_459] {strides = array<i32>} : memref<2x32x8x128xf32, #tpu.memory_space<vmem>>, vector<1x1x1x16xf32>,
          %get3A_461 = vector.shape_cast %get3A_460 : vector<1x1x1x16xf32> to vector<16xf32>
          %mul3A_462 = arith.mulf %get3A_461, %get3A_27 : vector<16xf32>
          %add3A_463 = arith.addf %add3A_453, %mul3A_462 : vector<16xf32>
          %get3A_464 = arith.constant 0 : i32
          %get3A_465 = arith.constant 3 : i32
          %get3A_466 = arith.index_cast %get3A_464 : i32 to index
          %get3A_467 = arith.index_cast %scan3A_99 : i32 to index
          %get3A_468 = arith.index_cast %get3A_465 : i32 to index
          %get3A_469 = arith.constant 32 : index
          %get3A_470 = tpu.vector_load %arg5[%get3A_466, %get3A_467, %get3A_468, %get3A_469] {strides = array<i32>} : memref<2x32x8x128xf32, #tpu.memory_space<vmem>>, vector<1x1x1x16xf32>,
          %get3A_471 = vector.shape_cast %get3A_470 : vector<1x1x1x16xf32> to vector<16xf32>
          %mul3A_472 = arith.mulf %get3A_471, %get3A_32 : vector<16xf32>
          %add3A_473 = arith.addf %add3A_463, %mul3A_472 : vector<16xf32>
          %get3A_474 = arith.constant 0 : i32
          %get3A_475 = arith.constant 4 : i32
          %get3A_476 = arith.index_cast %get3A_474 : i32 to index
          %get3A_477 = arith.index_cast %scan3A_99 : i32 to index
          %get3A_478 = arith.index_cast %get3A_475 : i32 to index
          %get3A_479 = arith.constant 32 : index
          %get3A_480 = tpu.vector_load %arg5[%get3A_476, %get3A_477, %get3A_478, %get3A_479] {strides = array<i32>} : memref<2x32x8x128xf32, #tpu.memory_space<vmem>>, vector<1x1x1x16xf32>,
          %get3A_481 = vector.shape_cast %get3A_480 : vector<1x1x1x16xf32> to vector<16xf32>
          %mul3A_482 = arith.mulf %get3A_481, %get3A_37 : vector<16xf32>
          %add3A_483 = arith.addf %add3A_473, %mul3A_482 : vector<16xf32>
          %get3A_484 = arith.constant 0 : i32
          %get3A_485 = arith.constant 5 : i32
          %get3A_486 = arith.index_cast %get3A_484 : i32 to index
          %get3A_487 = arith.index_cast %scan3A_99 : i32 to index
          %get3A_488 = arith.index_cast %get3A_485 : i32 to index
          %get3A_489 = arith.constant 32 : index
          %get3A_490 = tpu.vector_load %arg5[%get3A_486, %get3A_487, %get3A_488, %get3A_489] {strides = array<i32>} : memref<2x32x8x128xf32, #tpu.memory_space<vmem>>, vector<1x1x1x16xf32>,
          %get3A_491 = vector.shape_cast %get3A_490 : vector<1x1x1x16xf32> to vector<16xf32>
          %mul3A_492 = arith.mulf %get3A_491, %get3A_42 : vector<16xf32>
          %add3A_493 = arith.addf %add3A_483, %mul3A_492 : vector<16xf32>
          %get3A_494 = arith.constant 0 : i32
          %get3A_495 = arith.constant 6 : i32
          %get3A_496 = arith.index_cast %get3A_494 : i32 to index
          %get3A_497 = arith.index_cast %scan3A_99 : i32 to index
          %get3A_498 = arith.index_cast %get3A_495 : i32 to index
          %get3A_499 = arith.constant 32 : index
          %get3A_500 = tpu.vector_load %arg5[%get3A_496, %get3A_497, %get3A_498, %get3A_499] {strides = array<i32>} : memref<2x32x8x128xf32, #tpu.memory_space<vmem>>, vector<1x1x1x16xf32>,
          %get3A_501 = vector.shape_cast %get3A_500 : vector<1x1x1x16xf32> to vector<16xf32>
          %mul3A_502 = arith.mulf %get3A_501, %get3A_47 : vector<16xf32>
          %add3A_503 = arith.addf %add3A_493, %mul3A_502 : vector<16xf32>
          %get3A_504 = arith.constant 0 : i32
          %get3A_505 = arith.constant 7 : i32
          %get3A_506 = arith.index_cast %get3A_504 : i32 to index
          %get3A_507 = arith.index_cast %scan3A_99 : i32 to index
          %get3A_508 = arith.index_cast %get3A_505 : i32 to index
          %get3A_509 = arith.constant 32 : index
          %get3A_510 = tpu.vector_load %arg5[%get3A_506, %get3A_507, %get3A_508, %get3A_509] {strides = array<i32>} : memref<2x32x8x128xf32, #tpu.memory_space<vmem>>, vector<1x1x1x16xf32>,
          %get3A_511 = vector.shape_cast %get3A_510 : vector<1x1x1x16xf32> to vector<16xf32>
          %mul3A_512 = arith.mulf %get3A_511, %get3A_52 : vector<16xf32>
          %add3A_513 = arith.addf %add3A_503, %mul3A_512 : vector<16xf32>
          %get3A_514 = arith.constant 1 : i32
          %get3A_515 = arith.constant 0 : i32
          %get3A_516 = arith.index_cast %get3A_514 : i32 to index
          %get3A_517 = arith.index_cast %scan3A_99 : i32 to index
          %get3A_518 = arith.index_cast %get3A_515 : i32 to index
          %get3A_519 = arith.constant 32 : index
          %get3A_520 = tpu.vector_load %arg5[%get3A_516, %get3A_517, %get3A_518, %get3A_519] {strides = array<i32>} : memref<2x32x8x128xf32, #tpu.memory_space<vmem>>, vector<1x1x1x16xf32>,
          %get3A_521 = vector.shape_cast %get3A_520 : vector<1x1x1x16xf32> to vector<16xf32>
          %mul3A_522 = arith.mulf %get3A_521, %get3A_57 : vector<16xf32>
          %add3A_523 = arith.addf %add3A_513, %mul3A_522 : vector<16xf32>
          %get3A_524 = arith.constant 1 : i32
          %get3A_525 = arith.constant 1 : i32
          %get3A_526 = arith.index_cast %get3A_524 : i32 to index
          %get3A_527 = arith.index_cast %scan3A_99 : i32 to index
          %get3A_528 = arith.index_cast %get3A_525 : i32 to index
          %get3A_529 = arith.constant 32 : index
          %get3A_530 = tpu.vector_load %arg5[%get3A_526, %get3A_527, %get3A_528, %get3A_529] {strides = array<i32>} : memref<2x32x8x128xf32, #tpu.memory_space<vmem>>, vector<1x1x1x16xf32>,
          %get3A_531 = vector.shape_cast %get3A_530 : vector<1x1x1x16xf32> to vector<16xf32>
          %mul3A_532 = arith.mulf %get3A_531, %get3A_62 : vector<16xf32>
          %add3A_533 = arith.addf %add3A_523, %mul3A_532 : vector<16xf32>
          %get3A_534 = arith.constant 1 : i32
          %get3A_535 = arith.constant 2 : i32
          %get3A_536 = arith.index_cast %get3A_534 : i32 to index
          %get3A_537 = arith.index_cast %scan3A_99 : i32 to index
          %get3A_538 = arith.index_cast %get3A_535 : i32 to index
          %get3A_539 = arith.constant 32 : index
          %get3A_540 = tpu.vector_load %arg5[%get3A_536, %get3A_537, %get3A_538, %get3A_539] {strides = array<i32>} : memref<2x32x8x128xf32, #tpu.memory_space<vmem>>, vector<1x1x1x16xf32>,
          %get3A_541 = vector.shape_cast %get3A_540 : vector<1x1x1x16xf32> to vector<16xf32>
          %mul3A_542 = arith.mulf %get3A_541, %get3A_67 : vector<16xf32>
          %add3A_543 = arith.addf %add3A_533, %mul3A_542 : vector<16xf32>
          %get3A_544 = arith.constant 1 : i32
          %get3A_545 = arith.constant 3 : i32
          %get3A_546 = arith.index_cast %get3A_544 : i32 to index
          %get3A_547 = arith.index_cast %scan3A_99 : i32 to index
          %get3A_548 = arith.index_cast %get3A_545 : i32 to index
          %get3A_549 = arith.constant 32 : index
          %get3A_550 = tpu.vector_load %arg5[%get3A_546, %get3A_547, %get3A_548, %get3A_549] {strides = array<i32>} : memref<2x32x8x128xf32, #tpu.memory_space<vmem>>, vector<1x1x1x16xf32>,
          %get3A_551 = vector.shape_cast %get3A_550 : vector<1x1x1x16xf32> to vector<16xf32>
          %mul3A_552 = arith.mulf %get3A_551, %get3A_72 : vector<16xf32>
          %add3A_553 = arith.addf %add3A_543, %mul3A_552 : vector<16xf32>
          %get3A_554 = arith.constant 1 : i32
          %get3A_555 = arith.constant 4 : i32
          %get3A_556 = arith.index_cast %get3A_554 : i32 to index
          %get3A_557 = arith.index_cast %scan3A_99 : i32 to index
          %get3A_558 = arith.index_cast %get3A_555 : i32 to index
          %get3A_559 = arith.constant 32 : index
          %get3A_560 = tpu.vector_load %arg5[%get3A_556, %get3A_557, %get3A_558, %get3A_559] {strides = array<i32>} : memref<2x32x8x128xf32, #tpu.memory_space<vmem>>, vector<1x1x1x16xf32>,
          %get3A_561 = vector.shape_cast %get3A_560 : vector<1x1x1x16xf32> to vector<16xf32>
          %mul3A_562 = arith.mulf %get3A_561, %get3A_77 : vector<16xf32>
          %add3A_563 = arith.addf %add3A_553, %mul3A_562 : vector<16xf32>
          %get3A_564 = arith.constant 1 : i32
          %get3A_565 = arith.constant 5 : i32
          %get3A_566 = arith.index_cast %get3A_564 : i32 to index
          %get3A_567 = arith.index_cast %scan3A_99 : i32 to index
          %get3A_568 = arith.index_cast %get3A_565 : i32 to index
          %get3A_569 = arith.constant 32 : index
          %get3A_570 = tpu.vector_load %arg5[%get3A_566, %get3A_567, %get3A_568, %get3A_569] {strides = array<i32>} : memref<2x32x8x128xf32, #tpu.memory_space<vmem>>, vector<1x1x1x16xf32>,
          %get3A_571 = vector.shape_cast %get3A_570 : vector<1x1x1x16xf32> to vector<16xf32>
          %mul3A_572 = arith.mulf %get3A_571, %get3A_82 : vector<16xf32>
          %add3A_573 = arith.addf %add3A_563, %mul3A_572 : vector<16xf32>
          %get3A_574 = arith.constant 1 : i32
          %get3A_575 = arith.constant 6 : i32
          %get3A_576 = arith.index_cast %get3A_574 : i32 to index
          %get3A_577 = arith.index_cast %scan3A_99 : i32 to index
          %get3A_578 = arith.index_cast %get3A_575 : i32 to index
          %get3A_579 = arith.constant 32 : index
          %get3A_580 = tpu.vector_load %arg5[%get3A_576, %get3A_577, %get3A_578, %get3A_579] {strides = array<i32>} : memref<2x32x8x128xf32, #tpu.memory_space<vmem>>, vector<1x1x1x16xf32>,
          %get3A_581 = vector.shape_cast %get3A_580 : vector<1x1x1x16xf32> to vector<16xf32>
          %mul3A_582 = arith.mulf %get3A_581, %get3A_87 : vector<16xf32>
          %add3A_583 = arith.addf %add3A_573, %mul3A_582 : vector<16xf32>
          %get3A_584 = arith.constant 1 : i32
          %get3A_585 = arith.constant 7 : i32
          %get3A_586 = arith.index_cast %get3A_584 : i32 to index
          %get3A_587 = arith.index_cast %scan3A_99 : i32 to index
          %get3A_588 = arith.index_cast %get3A_585 : i32 to index
          %get3A_589 = arith.constant 32 : index
          %get3A_590 = tpu.vector_load %arg5[%get3A_586, %get3A_587, %get3A_588, %get3A_589] {strides = array<i32>} : memref<2x32x8x128xf32, #tpu.memory_space<vmem>>, vector<1x1x1x16xf32>,
          %get3A_591 = vector.shape_cast %get3A_590 : vector<1x1x1x16xf32> to vector<16xf32>
          %mul3A_592 = arith.mulf %get3A_591, %get3A_92 : vector<16xf32>
          %add3A_593 = arith.addf %add3A_583, %mul3A_592 : vector<16xf32>
          %swap3A_594 = arith.index_cast %scan3A_99 : i32 to index
          %swap3A_595 = arith.constant 32 : index
          %swap3A_596 = tpu.vector_load %arg7[%swap3A_594, %swap3A_595] {strides = array<i32>} : memref<32x128xf32, #tpu.memory_space<vmem>>, vector<1x16xf32>,
          %swap3A_597 = vector.shape_cast %swap3A_596 : vector<1x16xf32> to vector<16xf32>
          %swap3A_598 = vector.shape_cast %add3A_593 : vector<16xf32> to vector<1x16xf32>
          tpu.vector_store %arg7[%swap3A_594, %swap3A_595], %swap3A_598 {strides = array<i32>} : memref<32x128xf32, #tpu.memory_space<vmem>>, vector<1x16xf32>,
          %broadcast_in_dim3A_599 = arith.constant 0.000000e+00 : f32
          %broadcast_in_dim3A_600 = vector.broadcast %broadcast_in_dim3A_599 : f32 to vector<16xf32>
          %get3A_601 = arith.constant 0 : i32
          %get3A_602 = arith.constant 0 : i32
          %get3A_603 = arith.index_cast %get3A_601 : i32 to index
          %get3A_604 = arith.index_cast %scan3A_99 : i32 to index
          %get3A_605 = arith.index_cast %get3A_602 : i32 to index
          %get3A_606 = arith.constant 48 : index
          %get3A_607 = tpu.vector_load %arg5[%get3A_603, %get3A_604, %get3A_605, %get3A_606] {strides = array<i32>} : memref<2x32x8x128xf32, #tpu.memory_space<vmem>>, vector<1x1x1x16xf32>,
          %get3A_608 = vector.shape_cast %get3A_607 : vector<1x1x1x16xf32> to vector<16xf32>
          %mul3A_609 = arith.mulf %get3A_608, %get3A_17 : vector<16xf32>
          %add3A_610 = arith.addf %broadcast_in_dim3A_600, %mul3A_609 : vector<16xf32>
          %get3A_611 = arith.constant 0 : i32
          %get3A_612 = arith.constant 1 : i32
          %get3A_613 = arith.index_cast %get3A_611 : i32 to index
          %get3A_614 = arith.index_cast %scan3A_99 : i32 to index
          %get3A_615 = arith.index_cast %get3A_612 : i32 to index
          %get3A_616 = arith.constant 48 : index
          %get3A_617 = tpu.vector_load %arg5[%get3A_613, %get3A_614, %get3A_615, %get3A_616] {strides = array<i32>} : memref<2x32x8x128xf32, #tpu.memory_space<vmem>>, vector<1x1x1x16xf32>,
          %get3A_618 = vector.shape_cast %get3A_617 : vector<1x1x1x16xf32> to vector<16xf32>
          %mul3A_619 = arith.mulf %get3A_618, %get3A_22 : vector<16xf32>
          %add3A_620 = arith.addf %add3A_610, %mul3A_619 : vector<16xf32>
          %get3A_621 = arith.constant 0 : i32
          %get3A_622 = arith.constant 2 : i32
          %get3A_623 = arith.index_cast %get3A_621 : i32 to index
          %get3A_624 = arith.index_cast %scan3A_99 : i32 to index
          %get3A_625 = arith.index_cast %get3A_622 : i32 to index
          %get3A_626 = arith.constant 48 : index
          %get3A_627 = tpu.vector_load %arg5[%get3A_623, %get3A_624, %get3A_625, %get3A_626] {strides = array<i32>} : memref<2x32x8x128xf32, #tpu.memory_space<vmem>>, vector<1x1x1x16xf32>,
          %get3A_628 = vector.shape_cast %get3A_627 : vector<1x1x1x16xf32> to vector<16xf32>
          %mul3A_629 = arith.mulf %get3A_628, %get3A_27 : vector<16xf32>
          %add3A_630 = arith.addf %add3A_620, %mul3A_629 : vector<16xf32>
          %get3A_631 = arith.constant 0 : i32
          %get3A_632 = arith.constant 3 : i32
          %get3A_633 = arith.index_cast %get3A_631 : i32 to index
          %get3A_634 = arith.index_cast %scan3A_99 : i32 to index
          %get3A_635 = arith.index_cast %get3A_632 : i32 to index
          %get3A_636 = arith.constant 48 : index
          %get3A_637 = tpu.vector_load %arg5[%get3A_633, %get3A_634, %get3A_635, %get3A_636] {strides = array<i32>} : memref<2x32x8x128xf32, #tpu.memory_space<vmem>>, vector<1x1x1x16xf32>,
          %get3A_638 = vector.shape_cast %get3A_637 : vector<1x1x1x16xf32> to vector<16xf32>
          %mul3A_639 = arith.mulf %get3A_638, %get3A_32 : vector<16xf32>
          %add3A_640 = arith.addf %add3A_630, %mul3A_639 : vector<16xf32>
          %get3A_641 = arith.constant 0 : i32
          %get3A_642 = arith.constant 4 : i32
          %get3A_643 = arith.index_cast %get3A_641 : i32 to index
          %get3A_644 = arith.index_cast %scan3A_99 : i32 to index
          %get3A_645 = arith.index_cast %get3A_642 : i32 to index
          %get3A_646 = arith.constant 48 : index
          %get3A_647 = tpu.vector_load %arg5[%get3A_643, %get3A_644, %get3A_645, %get3A_646] {strides = array<i32>} : memref<2x32x8x128xf32, #tpu.memory_space<vmem>>, vector<1x1x1x16xf32>,
          %get3A_648 = vector.shape_cast %get3A_647 : vector<1x1x1x16xf32> to vector<16xf32>
          %mul3A_649 = arith.mulf %get3A_648, %get3A_37 : vector<16xf32>
          %add3A_650 = arith.addf %add3A_640, %mul3A_649 : vector<16xf32>
          %get3A_651 = arith.constant 0 : i32
          %get3A_652 = arith.constant 5 : i32
          %get3A_653 = arith.index_cast %get3A_651 : i32 to index
          %get3A_654 = arith.index_cast %scan3A_99 : i32 to index
          %get3A_655 = arith.index_cast %get3A_652 : i32 to index
          %get3A_656 = arith.constant 48 : index
          %get3A_657 = tpu.vector_load %arg5[%get3A_653, %get3A_654, %get3A_655, %get3A_656] {strides = array<i32>} : memref<2x32x8x128xf32, #tpu.memory_space<vmem>>, vector<1x1x1x16xf32>,
          %get3A_658 = vector.shape_cast %get3A_657 : vector<1x1x1x16xf32> to vector<16xf32>
          %mul3A_659 = arith.mulf %get3A_658, %get3A_42 : vector<16xf32>
          %add3A_660 = arith.addf %add3A_650, %mul3A_659 : vector<16xf32>
          %get3A_661 = arith.constant 0 : i32
          %get3A_662 = arith.constant 6 : i32
          %get3A_663 = arith.index_cast %get3A_661 : i32 to index
          %get3A_664 = arith.index_cast %scan3A_99 : i32 to index
          %get3A_665 = arith.index_cast %get3A_662 : i32 to index
          %get3A_666 = arith.constant 48 : index
          %get3A_667 = tpu.vector_load %arg5[%get3A_663, %get3A_664, %get3A_665, %get3A_666] {strides = array<i32>} : memref<2x32x8x128xf32, #tpu.memory_space<vmem>>, vector<1x1x1x16xf32>,
          %get3A_668 = vector.shape_cast %get3A_667 : vector<1x1x1x16xf32> to vector<16xf32>
          %mul3A_669 = arith.mulf %get3A_668, %get3A_47 : vector<16xf32>
          %add3A_670 = arith.addf %add3A_660, %mul3A_669 : vector<16xf32>
          %get3A_671 = arith.constant 0 : i32
          %get3A_672 = arith.constant 7 : i32
          %get3A_673 = arith.index_cast %get3A_671 : i32 to index
          %get3A_674 = arith.index_cast %scan3A_99 : i32 to index
          %get3A_675 = arith.index_cast %get3A_672 : i32 to index
          %get3A_676 = arith.constant 48 : index
          %get3A_677 = tpu.vector_load %arg5[%get3A_673, %get3A_674, %get3A_675, %get3A_676] {strides = array<i32>} : memref<2x32x8x128xf32, #tpu.memory_space<vmem>>, vector<1x1x1x16xf32>,
          %get3A_678 = vector.shape_cast %get3A_677 : vector<1x1x1x16xf32> to vector<16xf32>
          %mul3A_679 = arith.mulf %get3A_678, %get3A_52 : vector<16xf32>
          %add3A_680 = arith.addf %add3A_670, %mul3A_679 : vector<16xf32>
          %get3A_681 = arith.constant 1 : i32
          %get3A_682 = arith.constant 0 : i32
          %get3A_683 = arith.index_cast %get3A_681 : i32 to index
          %get3A_684 = arith.index_cast %scan3A_99 : i32 to index
          %get3A_685 = arith.index_cast %get3A_682 : i32 to index
          %get3A_686 = arith.constant 48 : index
          %get3A_687 = tpu.vector_load %arg5[%get3A_683, %get3A_684, %get3A_685, %get3A_686] {strides = array<i32>} : memref<2x32x8x128xf32, #tpu.memory_space<vmem>>, vector<1x1x1x16xf32>,
          %get3A_688 = vector.shape_cast %get3A_687 : vector<1x1x1x16xf32> to vector<16xf32>
          %mul3A_689 = arith.mulf %get3A_688, %get3A_57 : vector<16xf32>
          %add3A_690 = arith.addf %add3A_680, %mul3A_689 : vector<16xf32>
          %get3A_691 = arith.constant 1 : i32
          %get3A_692 = arith.constant 1 : i32
          %get3A_693 = arith.index_cast %get3A_691 : i32 to index
          %get3A_694 = arith.index_cast %scan3A_99 : i32 to index
          %get3A_695 = arith.index_cast %get3A_692 : i32 to index
          %get3A_696 = arith.constant 48 : index
          %get3A_697 = tpu.vector_load %arg5[%get3A_693, %get3A_694, %get3A_695, %get3A_696] {strides = array<i32>} : memref<2x32x8x128xf32, #tpu.memory_space<vmem>>, vector<1x1x1x16xf32>,
          %get3A_698 = vector.shape_cast %get3A_697 : vector<1x1x1x16xf32> to vector<16xf32>
          %mul3A_699 = arith.mulf %get3A_698, %get3A_62 : vector<16xf32>
          %add3A_700 = arith.addf %add3A_690, %mul3A_699 : vector<16xf32>
          %get3A_701 = arith.constant 1 : i32
          %get3A_702 = arith.constant 2 : i32
          %get3A_703 = arith.index_cast %get3A_701 : i32 to index
          %get3A_704 = arith.index_cast %scan3A_99 : i32 to index
          %get3A_705 = arith.index_cast %get3A_702 : i32 to index
          %get3A_706 = arith.constant 48 : index
          %get3A_707 = tpu.vector_load %arg5[%get3A_703, %get3A_704, %get3A_705, %get3A_706] {strides = array<i32>} : memref<2x32x8x128xf32, #tpu.memory_space<vmem>>, vector<1x1x1x16xf32>,
          %get3A_708 = vector.shape_cast %get3A_707 : vector<1x1x1x16xf32> to vector<16xf32>
          %mul3A_709 = arith.mulf %get3A_708, %get3A_67 : vector<16xf32>
          %add3A_710 = arith.addf %add3A_700, %mul3A_709 : vector<16xf32>
          %get3A_711 = arith.constant 1 : i32
          %get3A_712 = arith.constant 3 : i32
          %get3A_713 = arith.index_cast %get3A_711 : i32 to index
          %get3A_714 = arith.index_cast %scan3A_99 : i32 to index
          %get3A_715 = arith.index_cast %get3A_712 : i32 to index
          %get3A_716 = arith.constant 48 : index
          %get3A_717 = tpu.vector_load %arg5[%get3A_713, %get3A_714, %get3A_715, %get3A_716] {strides = array<i32>} : memref<2x32x8x128xf32, #tpu.memory_space<vmem>>, vector<1x1x1x16xf32>,
          %get3A_718 = vector.shape_cast %get3A_717 : vector<1x1x1x16xf32> to vector<16xf32>
          %mul3A_719 = arith.mulf %get3A_718, %get3A_72 : vector<16xf32>
          %add3A_720 = arith.addf %add3A_710, %mul3A_719 : vector<16xf32>
          %get3A_721 = arith.constant 1 : i32
          %get3A_722 = arith.constant 4 : i32
          %get3A_723 = arith.index_cast %get3A_721 : i32 to index
          %get3A_724 = arith.index_cast %scan3A_99 : i32 to index
          %get3A_725 = arith.index_cast %get3A_722 : i32 to index
          %get3A_726 = arith.constant 48 : index
          %get3A_727 = tpu.vector_load %arg5[%get3A_723, %get3A_724, %get3A_725, %get3A_726] {strides = array<i32>} : memref<2x32x8x128xf32, #tpu.memory_space<vmem>>, vector<1x1x1x16xf32>,
          %get3A_728 = vector.shape_cast %get3A_727 : vector<1x1x1x16xf32> to vector<16xf32>
          %mul3A_729 = arith.mulf %get3A_728, %get3A_77 : vector<16xf32>
          %add3A_730 = arith.addf %add3A_720, %mul3A_729 : vector<16xf32>
          %get3A_731 = arith.constant 1 : i32
          %get3A_732 = arith.constant 5 : i32
          %get3A_733 = arith.index_cast %get3A_731 : i32 to index
          %get3A_734 = arith.index_cast %scan3A_99 : i32 to index
          %get3A_735 = arith.index_cast %get3A_732 : i32 to index
          %get3A_736 = arith.constant 48 : index
          %get3A_737 = tpu.vector_load %arg5[%get3A_733, %get3A_734, %get3A_735, %get3A_736] {strides = array<i32>} : memref<2x32x8x128xf32, #tpu.memory_space<vmem>>, vector<1x1x1x16xf32>,
          %get3A_738 = vector.shape_cast %get3A_737 : vector<1x1x1x16xf32> to vector<16xf32>
          %mul3A_739 = arith.mulf %get3A_738, %get3A_82 : vector<16xf32>
          %add3A_740 = arith.addf %add3A_730, %mul3A_739 : vector<16xf32>
          %get3A_741 = arith.constant 1 : i32
          %get3A_742 = arith.constant 6 : i32
          %get3A_743 = arith.index_cast %get3A_741 : i32 to index
          %get3A_744 = arith.index_cast %scan3A_99 : i32 to index
          %get3A_745 = arith.index_cast %get3A_742 : i32 to index
          %get3A_746 = arith.constant 48 : index
          %get3A_747 = tpu.vector_load %arg5[%get3A_743, %get3A_744, %get3A_745, %get3A_746] {strides = array<i32>} : memref<2x32x8x128xf32, #tpu.memory_space<vmem>>, vector<1x1x1x16xf32>,
          %get3A_748 = vector.shape_cast %get3A_747 : vector<1x1x1x16xf32> to vector<16xf32>
          %mul3A_749 = arith.mulf %get3A_748, %get3A_87 : vector<16xf32>
          %add3A_750 = arith.addf %add3A_740, %mul3A_749 : vector<16xf32>
          %get3A_751 = arith.constant 1 : i32
          %get3A_752 = arith.constant 7 : i32
          %get3A_753 = arith.index_cast %get3A_751 : i32 to index
          %get3A_754 = arith.index_cast %scan3A_99 : i32 to index
          %get3A_755 = arith.index_cast %get3A_752 : i32 to index
          %get3A_756 = arith.constant 48 : index
          %get3A_757 = tpu.vector_load %arg5[%get3A_753, %get3A_754, %get3A_755, %get3A_756] {strides = array<i32>} : memref<2x32x8x128xf32, #tpu.memory_space<vmem>>, vector<1x1x1x16xf32>,
          %get3A_758 = vector.shape_cast %get3A_757 : vector<1x1x1x16xf32> to vector<16xf32>
          %mul3A_759 = arith.mulf %get3A_758, %get3A_92 : vector<16xf32>
          %add3A_760 = arith.addf %add3A_750, %mul3A_759 : vector<16xf32>
          %swap3A_761 = arith.index_cast %scan3A_99 : i32 to index
          %swap3A_762 = arith.constant 48 : index
          %swap3A_763 = tpu.vector_load %arg7[%swap3A_761, %swap3A_762] {strides = array<i32>} : memref<32x128xf32, #tpu.memory_space<vmem>>, vector<1x16xf32>,
          %swap3A_764 = vector.shape_cast %swap3A_763 : vector<1x16xf32> to vector<16xf32>
          %swap3A_765 = vector.shape_cast %add3A_760 : vector<16xf32> to vector<1x16xf32>
          tpu.vector_store %arg7[%swap3A_761, %swap3A_762], %swap3A_765 {strides = array<i32>} : memref<32x128xf32, #tpu.memory_space<vmem>>, vector<1x16xf32>,
          %broadcast_in_dim3A_766 = arith.constant 0.000000e+00 : f32
          %broadcast_in_dim3A_767 = vector.broadcast %broadcast_in_dim3A_766 : f32 to vector<16xf32>
          %get3A_768 = arith.constant 0 : i32
          %get3A_769 = arith.constant 0 : i32
          %get3A_770 = arith.index_cast %get3A_768 : i32 to index
          %get3A_771 = arith.index_cast %scan3A_99 : i32 to index
          %get3A_772 = arith.index_cast %get3A_769 : i32 to index
          %get3A_773 = arith.constant 64 : index
          %get3A_774 = tpu.vector_load %arg5[%get3A_770, %get3A_771, %get3A_772, %get3A_773] {strides = array<i32>} : memref<2x32x8x128xf32, #tpu.memory_space<vmem>>, vector<1x1x1x16xf32>,
          %get3A_775 = vector.shape_cast %get3A_774 : vector<1x1x1x16xf32> to vector<16xf32>
          %mul3A_776 = arith.mulf %get3A_775, %get3A_17 : vector<16xf32>
          %add3A_777 = arith.addf %broadcast_in_dim3A_767, %mul3A_776 : vector<16xf32>
          %get3A_778 = arith.constant 0 : i32
          %get3A_779 = arith.constant 1 : i32
          %get3A_780 = arith.index_cast %get3A_778 : i32 to index
          %get3A_781 = arith.index_cast %scan3A_99 : i32 to index
          %get3A_782 = arith.index_cast %get3A_779 : i32 to index
          %get3A_783 = arith.constant 64 : index
          %get3A_784 = tpu.vector_load %arg5[%get3A_780, %get3A_781, %get3A_782, %get3A_783] {strides = array<i32>} : memref<2x32x8x128xf32, #tpu.memory_space<vmem>>, vector<1x1x1x16xf32>,
          %get3A_785 = vector.shape_cast %get3A_784 : vector<1x1x1x16xf32> to vector<16xf32>
          %mul3A_786 = arith.mulf %get3A_785, %get3A_22 : vector<16xf32>
          %add3A_787 = arith.addf %add3A_777, %mul3A_786 : vector<16xf32>
          %get3A_788 = arith.constant 0 : i32
          %get3A_789 = arith.constant 2 : i32
          %get3A_790 = arith.index_cast %get3A_788 : i32 to index
          %get3A_791 = arith.index_cast %scan3A_99 : i32 to index
          %get3A_792 = arith.index_cast %get3A_789 : i32 to index
          %get3A_793 = arith.constant 64 : index
          %get3A_794 = tpu.vector_load %arg5[%get3A_790, %get3A_791, %get3A_792, %get3A_793] {strides = array<i32>} : memref<2x32x8x128xf32, #tpu.memory_space<vmem>>, vector<1x1x1x16xf32>,
          %get3A_795 = vector.shape_cast %get3A_794 : vector<1x1x1x16xf32> to vector<16xf32>
          %mul3A_796 = arith.mulf %get3A_795, %get3A_27 : vector<16xf32>
          %add3A_797 = arith.addf %add3A_787, %mul3A_796 : vector<16xf32>
          %get3A_798 = arith.constant 0 : i32
          %get3A_799 = arith.constant 3 : i32
          %get3A_800 = arith.index_cast %get3A_798 : i32 to index
          %get3A_801 = arith.index_cast %scan3A_99 : i32 to index
          %get3A_802 = arith.index_cast %get3A_799 : i32 to index
          %get3A_803 = arith.constant 64 : index
          %get3A_804 = tpu.vector_load %arg5[%get3A_800, %get3A_801, %get3A_802, %get3A_803] {strides = array<i32>} : memref<2x32x8x128xf32, #tpu.memory_space<vmem>>, vector<1x1x1x16xf32>,
          %get3A_805 = vector.shape_cast %get3A_804 : vector<1x1x1x16xf32> to vector<16xf32>
          %mul3A_806 = arith.mulf %get3A_805, %get3A_32 : vector<16xf32>
          %add3A_807 = arith.addf %add3A_797, %mul3A_806 : vector<16xf32>
          %get3A_808 = arith.constant 0 : i32
          %get3A_809 = arith.constant 4 : i32
          %get3A_810 = arith.index_cast %get3A_808 : i32 to index
          %get3A_811 = arith.index_cast %scan3A_99 : i32 to index
          %get3A_812 = arith.index_cast %get3A_809 : i32 to index
          %get3A_813 = arith.constant 64 : index
          %get3A_814 = tpu.vector_load %arg5[%get3A_810, %get3A_811, %get3A_812, %get3A_813] {strides = array<i32>} : memref<2x32x8x128xf32, #tpu.memory_space<vmem>>, vector<1x1x1x16xf32>,
          %get3A_815 = vector.shape_cast %get3A_814 : vector<1x1x1x16xf32> to vector<16xf32>
          %mul3A_816 = arith.mulf %get3A_815, %get3A_37 : vector<16xf32>
          %add3A_817 = arith.addf %add3A_807, %mul3A_816 : vector<16xf32>
          %get3A_818 = arith.constant 0 : i32
          %get3A_819 = arith.constant 5 : i32
          %get3A_820 = arith.index_cast %get3A_818 : i32 to index
          %get3A_821 = arith.index_cast %scan3A_99 : i32 to index
          %get3A_822 = arith.index_cast %get3A_819 : i32 to index
          %get3A_823 = arith.constant 64 : index
          %get3A_824 = tpu.vector_load %arg5[%get3A_820, %get3A_821, %get3A_822, %get3A_823] {strides = array<i32>} : memref<2x32x8x128xf32, #tpu.memory_space<vmem>>, vector<1x1x1x16xf32>,
          %get3A_825 = vector.shape_cast %get3A_824 : vector<1x1x1x16xf32> to vector<16xf32>
          %mul3A_826 = arith.mulf %get3A_825, %get3A_42 : vector<16xf32>
          %add3A_827 = arith.addf %add3A_817, %mul3A_826 : vector<16xf32>
          %get3A_828 = arith.constant 0 : i32
          %get3A_829 = arith.constant 6 : i32
          %get3A_830 = arith.index_cast %get3A_828 : i32 to index
          %get3A_831 = arith.index_cast %scan3A_99 : i32 to index
          %get3A_832 = arith.index_cast %get3A_829 : i32 to index
          %get3A_833 = arith.constant 64 : index
          %get3A_834 = tpu.vector_load %arg5[%get3A_830, %get3A_831, %get3A_832, %get3A_833] {strides = array<i32>} : memref<2x32x8x128xf32, #tpu.memory_space<vmem>>, vector<1x1x1x16xf32>,
          %get3A_835 = vector.shape_cast %get3A_834 : vector<1x1x1x16xf32> to vector<16xf32>
          %mul3A_836 = arith.mulf %get3A_835, %get3A_47 : vector<16xf32>
          %add3A_837 = arith.addf %add3A_827, %mul3A_836 : vector<16xf32>
          %get3A_838 = arith.constant 0 : i32
          %get3A_839 = arith.constant 7 : i32
          %get3A_840 = arith.index_cast %get3A_838 : i32 to index
          %get3A_841 = arith.index_cast %scan3A_99 : i32 to index
          %get3A_842 = arith.index_cast %get3A_839 : i32 to index
          %get3A_843 = arith.constant 64 : index
          %get3A_844 = tpu.vector_load %arg5[%get3A_840, %get3A_841, %get3A_842, %get3A_843] {strides = array<i32>} : memref<2x32x8x128xf32, #tpu.memory_space<vmem>>, vector<1x1x1x16xf32>,
          %get3A_845 = vector.shape_cast %get3A_844 : vector<1x1x1x16xf32> to vector<16xf32>
          %mul3A_846 = arith.mulf %get3A_845, %get3A_52 : vector<16xf32>
          %add3A_847 = arith.addf %add3A_837, %mul3A_846 : vector<16xf32>
          %get3A_848 = arith.constant 1 : i32
          %get3A_849 = arith.constant 0 : i32
          %get3A_850 = arith.index_cast %get3A_848 : i32 to index
          %get3A_851 = arith.index_cast %scan3A_99 : i32 to index
          %get3A_852 = arith.index_cast %get3A_849 : i32 to index
          %get3A_853 = arith.constant 64 : index
          %get3A_854 = tpu.vector_load %arg5[%get3A_850, %get3A_851, %get3A_852, %get3A_853] {strides = array<i32>} : memref<2x32x8x128xf32, #tpu.memory_space<vmem>>, vector<1x1x1x16xf32>,
          %get3A_855 = vector.shape_cast %get3A_854 : vector<1x1x1x16xf32> to vector<16xf32>
          %mul3A_856 = arith.mulf %get3A_855, %get3A_57 : vector<16xf32>
          %add3A_857 = arith.addf %add3A_847, %mul3A_856 : vector<16xf32>
          %get3A_858 = arith.constant 1 : i32
          %get3A_859 = arith.constant 1 : i32
          %get3A_860 = arith.index_cast %get3A_858 : i32 to index
          %get3A_861 = arith.index_cast %scan3A_99 : i32 to index
          %get3A_862 = arith.index_cast %get3A_859 : i32 to index
          %get3A_863 = arith.constant 64 : index
          %get3A_864 = tpu.vector_load %arg5[%get3A_860, %get3A_861, %get3A_862, %get3A_863] {strides = array<i32>} : memref<2x32x8x128xf32, #tpu.memory_space<vmem>>, vector<1x1x1x16xf32>,
          %get3A_865 = vector.shape_cast %get3A_864 : vector<1x1x1x16xf32> to vector<16xf32>
          %mul3A_866 = arith.mulf %get3A_865, %get3A_62 : vector<16xf32>
          %add3A_867 = arith.addf %add3A_857, %mul3A_866 : vector<16xf32>
          %get3A_868 = arith.constant 1 : i32
          %get3A_869 = arith.constant 2 : i32
          %get3A_870 = arith.index_cast %get3A_868 : i32 to index
          %get3A_871 = arith.index_cast %scan3A_99 : i32 to index
          %get3A_872 = arith.index_cast %get3A_869 : i32 to index
          %get3A_873 = arith.constant 64 : index
          %get3A_874 = tpu.vector_load %arg5[%get3A_870, %get3A_871, %get3A_872, %get3A_873] {strides = array<i32>} : memref<2x32x8x128xf32, #tpu.memory_space<vmem>>, vector<1x1x1x16xf32>,
          %get3A_875 = vector.shape_cast %get3A_874 : vector<1x1x1x16xf32> to vector<16xf32>
          %mul3A_876 = arith.mulf %get3A_875, %get3A_67 : vector<16xf32>
          %add3A_877 = arith.addf %add3A_867, %mul3A_876 : vector<16xf32>
          %get3A_878 = arith.constant 1 : i32
          %get3A_879 = arith.constant 3 : i32
          %get3A_880 = arith.index_cast %get3A_878 : i32 to index
          %get3A_881 = arith.index_cast %scan3A_99 : i32 to index
          %get3A_882 = arith.index_cast %get3A_879 : i32 to index
          %get3A_883 = arith.constant 64 : index
          %get3A_884 = tpu.vector_load %arg5[%get3A_880, %get3A_881, %get3A_882, %get3A_883] {strides = array<i32>} : memref<2x32x8x128xf32, #tpu.memory_space<vmem>>, vector<1x1x1x16xf32>,
          %get3A_885 = vector.shape_cast %get3A_884 : vector<1x1x1x16xf32> to vector<16xf32>
          %mul3A_886 = arith.mulf %get3A_885, %get3A_72 : vector<16xf32>
          %add3A_887 = arith.addf %add3A_877, %mul3A_886 : vector<16xf32>
          %get3A_888 = arith.constant 1 : i32
          %get3A_889 = arith.constant 4 : i32
          %get3A_890 = arith.index_cast %get3A_888 : i32 to index
          %get3A_891 = arith.index_cast %scan3A_99 : i32 to index
          %get3A_892 = arith.index_cast %get3A_889 : i32 to index
          %get3A_893 = arith.constant 64 : index
          %get3A_894 = tpu.vector_load %arg5[%get3A_890, %get3A_891, %get3A_892, %get3A_893] {strides = array<i32>} : memref<2x32x8x128xf32, #tpu.memory_space<vmem>>, vector<1x1x1x16xf32>,
          %get3A_895 = vector.shape_cast %get3A_894 : vector<1x1x1x16xf32> to vector<16xf32>
          %mul3A_896 = arith.mulf %get3A_895, %get3A_77 : vector<16xf32>
          %add3A_897 = arith.addf %add3A_887, %mul3A_896 : vector<16xf32>
          %get3A_898 = arith.constant 1 : i32
          %get3A_899 = arith.constant 5 : i32
          %get3A_900 = arith.index_cast %get3A_898 : i32 to index
          %get3A_901 = arith.index_cast %scan3A_99 : i32 to index
          %get3A_902 = arith.index_cast %get3A_899 : i32 to index
          %get3A_903 = arith.constant 64 : index
          %get3A_904 = tpu.vector_load %arg5[%get3A_900, %get3A_901, %get3A_902, %get3A_903] {strides = array<i32>} : memref<2x32x8x128xf32, #tpu.memory_space<vmem>>, vector<1x1x1x16xf32>,
          %get3A_905 = vector.shape_cast %get3A_904 : vector<1x1x1x16xf32> to vector<16xf32>
          %mul3A_906 = arith.mulf %get3A_905, %get3A_82 : vector<16xf32>
          %add3A_907 = arith.addf %add3A_897, %mul3A_906 : vector<16xf32>
          %get3A_908 = arith.constant 1 : i32
          %get3A_909 = arith.constant 6 : i32
          %get3A_910 = arith.index_cast %get3A_908 : i32 to index
          %get3A_911 = arith.index_cast %scan3A_99 : i32 to index
          %get3A_912 = arith.index_cast %get3A_909 : i32 to index
          %get3A_913 = arith.constant 64 : index
          %get3A_914 = tpu.vector_load %arg5[%get3A_910, %get3A_911, %get3A_912, %get3A_913] {strides = array<i32>} : memref<2x32x8x128xf32, #tpu.memory_space<vmem>>, vector<1x1x1x16xf32>,
          %get3A_915 = vector.shape_cast %get3A_914 : vector<1x1x1x16xf32> to vector<16xf32>
          %mul3A_916 = arith.mulf %get3A_915, %get3A_87 : vector<16xf32>
          %add3A_917 = arith.addf %add3A_907, %mul3A_916 : vector<16xf32>
          %get3A_918 = arith.constant 1 : i32
          %get3A_919 = arith.constant 7 : i32
          %get3A_920 = arith.index_cast %get3A_918 : i32 to index
          %get3A_921 = arith.index_cast %scan3A_99 : i32 to index
          %get3A_922 = arith.index_cast %get3A_919 : i32 to index
          %get3A_923 = arith.constant 64 : index
          %get3A_924 = tpu.vector_load %arg5[%get3A_920, %get3A_921, %get3A_922, %get3A_923] {strides = array<i32>} : memref<2x32x8x128xf32, #tpu.memory_space<vmem>>, vector<1x1x1x16xf32>,
          %get3A_925 = vector.shape_cast %get3A_924 : vector<1x1x1x16xf32> to vector<16xf32>
          %mul3A_926 = arith.mulf %get3A_925, %get3A_92 : vector<16xf32>
          %add3A_927 = arith.addf %add3A_917, %mul3A_926 : vector<16xf32>
          %swap3A_928 = arith.index_cast %scan3A_99 : i32 to index
          %swap3A_929 = arith.constant 64 : index
          %swap3A_930 = tpu.vector_load %arg7[%swap3A_928, %swap3A_929] {strides = array<i32>} : memref<32x128xf32, #tpu.memory_space<vmem>>, vector<1x16xf32>,
          %swap3A_931 = vector.shape_cast %swap3A_930 : vector<1x16xf32> to vector<16xf32>
          %swap3A_932 = vector.shape_cast %add3A_927 : vector<16xf32> to vector<1x16xf32>
          tpu.vector_store %arg7[%swap3A_928, %swap3A_929], %swap3A_932 {strides = array<i32>} : memref<32x128xf32, #tpu.memory_space<vmem>>, vector<1x16xf32>,
          %broadcast_in_dim3A_933 = arith.constant 0.000000e+00 : f32
          %broadcast_in_dim3A_934 = vector.broadcast %broadcast_in_dim3A_933 : f32 to vector<16xf32>
          %get3A_935 = arith.constant 0 : i32
          %get3A_936 = arith.constant 0 : i32
          %get3A_937 = arith.index_cast %get3A_935 : i32 to index
          %get3A_938 = arith.index_cast %scan3A_99 : i32 to index
          %get3A_939 = arith.index_cast %get3A_936 : i32 to index
          %get3A_940 = arith.constant 80 : index
          %get3A_941 = tpu.vector_load %arg5[%get3A_937, %get3A_938, %get3A_939, %get3A_940] {strides = array<i32>} : memref<2x32x8x128xf32, #tpu.memory_space<vmem>>, vector<1x1x1x16xf32>,
          %get3A_942 = vector.shape_cast %get3A_941 : vector<1x1x1x16xf32> to vector<16xf32>
          %mul3A_943 = arith.mulf %get3A_942, %get3A_17 : vector<16xf32>
          %add3A_944 = arith.addf %broadcast_in_dim3A_934, %mul3A_943 : vector<16xf32>
          %get3A_945 = arith.constant 0 : i32
          %get3A_946 = arith.constant 1 : i32
          %get3A_947 = arith.index_cast %get3A_945 : i32 to index
          %get3A_948 = arith.index_cast %scan3A_99 : i32 to index
          %get3A_949 = arith.index_cast %get3A_946 : i32 to index
          %get3A_950 = arith.constant 80 : index
          %get3A_951 = tpu.vector_load %arg5[%get3A_947, %get3A_948, %get3A_949, %get3A_950] {strides = array<i32>} : memref<2x32x8x128xf32, #tpu.memory_space<vmem>>, vector<1x1x1x16xf32>,
          %get3A_952 = vector.shape_cast %get3A_951 : vector<1x1x1x16xf32> to vector<16xf32>
          %mul3A_953 = arith.mulf %get3A_952, %get3A_22 : vector<16xf32>
          %add3A_954 = arith.addf %add3A_944, %mul3A_953 : vector<16xf32>
          %get3A_955 = arith.constant 0 : i32
          %get3A_956 = arith.constant 2 : i32
          %get3A_957 = arith.index_cast %get3A_955 : i32 to index
          %get3A_958 = arith.index_cast %scan3A_99 : i32 to index
          %get3A_959 = arith.index_cast %get3A_956 : i32 to index
          %get3A_960 = arith.constant 80 : index
          %get3A_961 = tpu.vector_load %arg5[%get3A_957, %get3A_958, %get3A_959, %get3A_960] {strides = array<i32>} : memref<2x32x8x128xf32, #tpu.memory_space<vmem>>, vector<1x1x1x16xf32>,
          %get3A_962 = vector.shape_cast %get3A_961 : vector<1x1x1x16xf32> to vector<16xf32>
          %mul3A_963 = arith.mulf %get3A_962, %get3A_27 : vector<16xf32>
          %add3A_964 = arith.addf %add3A_954, %mul3A_963 : vector<16xf32>
          %get3A_965 = arith.constant 0 : i32
          %get3A_966 = arith.constant 3 : i32
          %get3A_967 = arith.index_cast %get3A_965 : i32 to index
          %get3A_968 = arith.index_cast %scan3A_99 : i32 to index
          %get3A_969 = arith.index_cast %get3A_966 : i32 to index
          %get3A_970 = arith.constant 80 : index
          %get3A_971 = tpu.vector_load %arg5[%get3A_967, %get3A_968, %get3A_969, %get3A_970] {strides = array<i32>} : memref<2x32x8x128xf32, #tpu.memory_space<vmem>>, vector<1x1x1x16xf32>,
          %get3A_972 = vector.shape_cast %get3A_971 : vector<1x1x1x16xf32> to vector<16xf32>
          %mul3A_973 = arith.mulf %get3A_972, %get3A_32 : vector<16xf32>
          %add3A_974 = arith.addf %add3A_964, %mul3A_973 : vector<16xf32>
          %get3A_975 = arith.constant 0 : i32
          %get3A_976 = arith.constant 4 : i32
          %get3A_977 = arith.index_cast %get3A_975 : i32 to index
          %get3A_978 = arith.index_cast %scan3A_99 : i32 to index
          %get3A_979 = arith.index_cast %get3A_976 : i32 to index
          %get3A_980 = arith.constant 80 : index
          %get3A_981 = tpu.vector_load %arg5[%get3A_977, %get3A_978, %get3A_979, %get3A_980] {strides = array<i32>} : memref<2x32x8x128xf32, #tpu.memory_space<vmem>>, vector<1x1x1x16xf32>,
          %get3A_982 = vector.shape_cast %get3A_981 : vector<1x1x1x16xf32> to vector<16xf32>
          %mul3A_983 = arith.mulf %get3A_982, %get3A_37 : vector<16xf32>
          %add3A_984 = arith.addf %add3A_974, %mul3A_983 : vector<16xf32>
          %get3A_985 = arith.constant 0 : i32
          %get3A_986 = arith.constant 5 : i32
          %get3A_987 = arith.index_cast %get3A_985 : i32 to index
          %get3A_988 = arith.index_cast %scan3A_99 : i32 to index
          %get3A_989 = arith.index_cast %get3A_986 : i32 to index
          %get3A_990 = arith.constant 80 : index
          %get3A_991 = tpu.vector_load %arg5[%get3A_987, %get3A_988, %get3A_989, %get3A_990] {strides = array<i32>} : memref<2x32x8x128xf32, #tpu.memory_space<vmem>>, vector<1x1x1x16xf32>,
          %get3A_992 = vector.shape_cast %get3A_991 : vector<1x1x1x16xf32> to vector<16xf32>
          %mul3A_993 = arith.mulf %get3A_992, %get3A_42 : vector<16xf32>
          %add3A_994 = arith.addf %add3A_984, %mul3A_993 : vector<16xf32>
          %get3A_995 = arith.constant 0 : i32
          %get3A_996 = arith.constant 6 : i32
          %get3A_997 = arith.index_cast %get3A_995 : i32 to index
          %get3A_998 = arith.index_cast %scan3A_99 : i32 to index
          %get3A_999 = arith.index_cast %get3A_996 : i32 to index
          %get3A_1000 = arith.constant 80 : index
          %get3A_1001 = tpu.vector_load %arg5[%get3A_997, %get3A_998, %get3A_999, %get3A_1000] {strides = array<i32>} : memref<2x32x8x128xf32, #tpu.memory_space<vmem>>, vector<1x1x1x16xf32>,
          %get3A_1002 = vector.shape_cast %get3A_1001 : vector<1x1x1x16xf32> to vector<16xf32>
          %mul3A_1003 = arith.mulf %get3A_1002, %get3A_47 : vector<16xf32>
          %add3A_1004 = arith.addf %add3A_994, %mul3A_1003 : vector<16xf32>
          %get3A_1005 = arith.constant 0 : i32
          %get3A_1006 = arith.constant 7 : i32
          %get3A_1007 = arith.index_cast %get3A_1005 : i32 to index
          %get3A_1008 = arith.index_cast %scan3A_99 : i32 to index
          %get3A_1009 = arith.index_cast %get3A_1006 : i32 to index
          %get3A_1010 = arith.constant 80 : index
          %get3A_1011 = tpu.vector_load %arg5[%get3A_1007, %get3A_1008, %get3A_1009, %get3A_1010] {strides = array<i32>} : memref<2x32x8x128xf32, #tpu.memory_space<vmem>>, vector<1x1x1x16xf32>,
          %get3A_1012 = vector.shape_cast %get3A_1011 : vector<1x1x1x16xf32> to vector<16xf32>
          %mul3A_1013 = arith.mulf %get3A_1012, %get3A_52 : vector<16xf32>
          %add3A_1014 = arith.addf %add3A_1004, %mul3A_1013 : vector<16xf32>
          %get3A_1015 = arith.constant 1 : i32
          %get3A_1016 = arith.constant 0 : i32
          %get3A_1017 = arith.index_cast %get3A_1015 : i32 to index
          %get3A_1018 = arith.index_cast %scan3A_99 : i32 to index
          %get3A_1019 = arith.index_cast %get3A_1016 : i32 to index
          %get3A_1020 = arith.constant 80 : index
          %get3A_1021 = tpu.vector_load %arg5[%get3A_1017, %get3A_1018, %get3A_1019, %get3A_1020] {strides = array<i32>} : memref<2x32x8x128xf32, #tpu.memory_space<vmem>>, vector<1x1x1x16xf32>,
          %get3A_1022 = vector.shape_cast %get3A_1021 : vector<1x1x1x16xf32> to vector<16xf32>
          %mul3A_1023 = arith.mulf %get3A_1022, %get3A_57 : vector<16xf32>
          %add3A_1024 = arith.addf %add3A_1014, %mul3A_1023 : vector<16xf32>
          %get3A_1025 = arith.constant 1 : i32
          %get3A_1026 = arith.constant 1 : i32
          %get3A_1027 = arith.index_cast %get3A_1025 : i32 to index
          %get3A_1028 = arith.index_cast %scan3A_99 : i32 to index
          %get3A_1029 = arith.index_cast %get3A_1026 : i32 to index
          %get3A_1030 = arith.constant 80 : index
          %get3A_1031 = tpu.vector_load %arg5[%get3A_1027, %get3A_1028, %get3A_1029, %get3A_1030] {strides = array<i32>} : memref<2x32x8x128xf32, #tpu.memory_space<vmem>>, vector<1x1x1x16xf32>,
          %get3A_1032 = vector.shape_cast %get3A_1031 : vector<1x1x1x16xf32> to vector<16xf32>
          %mul3A_1033 = arith.mulf %get3A_1032, %get3A_62 : vector<16xf32>
          %add3A_1034 = arith.addf %add3A_1024, %mul3A_1033 : vector<16xf32>
          %get3A_1035 = arith.constant 1 : i32
          %get3A_1036 = arith.constant 2 : i32
          %get3A_1037 = arith.index_cast %get3A_1035 : i32 to index
          %get3A_1038 = arith.index_cast %scan3A_99 : i32 to index
          %get3A_1039 = arith.index_cast %get3A_1036 : i32 to index
          %get3A_1040 = arith.constant 80 : index
          %get3A_1041 = tpu.vector_load %arg5[%get3A_1037, %get3A_1038, %get3A_1039, %get3A_1040] {strides = array<i32>} : memref<2x32x8x128xf32, #tpu.memory_space<vmem>>, vector<1x1x1x16xf32>,
          %get3A_1042 = vector.shape_cast %get3A_1041 : vector<1x1x1x16xf32> to vector<16xf32>
          %mul3A_1043 = arith.mulf %get3A_1042, %get3A_67 : vector<16xf32>
          %add3A_1044 = arith.addf %add3A_1034, %mul3A_1043 : vector<16xf32>
          %get3A_1045 = arith.constant 1 : i32
          %get3A_1046 = arith.constant 3 : i32
          %get3A_1047 = arith.index_cast %get3A_1045 : i32 to index
          %get3A_1048 = arith.index_cast %scan3A_99 : i32 to index
          %get3A_1049 = arith.index_cast %get3A_1046 : i32 to index
          %get3A_1050 = arith.constant 80 : index
          %get3A_1051 = tpu.vector_load %arg5[%get3A_1047, %get3A_1048, %get3A_1049, %get3A_1050] {strides = array<i32>} : memref<2x32x8x128xf32, #tpu.memory_space<vmem>>, vector<1x1x1x16xf32>,
          %get3A_1052 = vector.shape_cast %get3A_1051 : vector<1x1x1x16xf32> to vector<16xf32>
          %mul3A_1053 = arith.mulf %get3A_1052, %get3A_72 : vector<16xf32>
          %add3A_1054 = arith.addf %add3A_1044, %mul3A_1053 : vector<16xf32>
          %get3A_1055 = arith.constant 1 : i32
          %get3A_1056 = arith.constant 4 : i32
          %get3A_1057 = arith.index_cast %get3A_1055 : i32 to index
          %get3A_1058 = arith.index_cast %scan3A_99 : i32 to index
          %get3A_1059 = arith.index_cast %get3A_1056 : i32 to index
          %get3A_1060 = arith.constant 80 : index
          %get3A_1061 = tpu.vector_load %arg5[%get3A_1057, %get3A_1058, %get3A_1059, %get3A_1060] {strides = array<i32>} : memref<2x32x8x128xf32, #tpu.memory_space<vmem>>, vector<1x1x1x16xf32>,
          %get3A_1062 = vector.shape_cast %get3A_1061 : vector<1x1x1x16xf32> to vector<16xf32>
          %mul3A_1063 = arith.mulf %get3A_1062, %get3A_77 : vector<16xf32>
          %add3A_1064 = arith.addf %add3A_1054, %mul3A_1063 : vector<16xf32>
          %get3A_1065 = arith.constant 1 : i32
          %get3A_1066 = arith.constant 5 : i32
          %get3A_1067 = arith.index_cast %get3A_1065 : i32 to index
          %get3A_1068 = arith.index_cast %scan3A_99 : i32 to index
          %get3A_1069 = arith.index_cast %get3A_1066 : i32 to index
          %get3A_1070 = arith.constant 80 : index
          %get3A_1071 = tpu.vector_load %arg5[%get3A_1067, %get3A_1068, %get3A_1069, %get3A_1070] {strides = array<i32>} : memref<2x32x8x128xf32, #tpu.memory_space<vmem>>, vector<1x1x1x16xf32>,
          %get3A_1072 = vector.shape_cast %get3A_1071 : vector<1x1x1x16xf32> to vector<16xf32>
          %mul3A_1073 = arith.mulf %get3A_1072, %get3A_82 : vector<16xf32>
          %add3A_1074 = arith.addf %add3A_1064, %mul3A_1073 : vector<16xf32>
          %get3A_1075 = arith.constant 1 : i32
          %get3A_1076 = arith.constant 6 : i32
          %get3A_1077 = arith.index_cast %get3A_1075 : i32 to index
          %get3A_1078 = arith.index_cast %scan3A_99 : i32 to index
          %get3A_1079 = arith.index_cast %get3A_1076 : i32 to index
          %get3A_1080 = arith.constant 80 : index
          %get3A_1081 = tpu.vector_load %arg5[%get3A_1077, %get3A_1078, %get3A_1079, %get3A_1080] {strides = array<i32>} : memref<2x32x8x128xf32, #tpu.memory_space<vmem>>, vector<1x1x1x16xf32>,
          %get3A_1082 = vector.shape_cast %get3A_1081 : vector<1x1x1x16xf32> to vector<16xf32>
          %mul3A_1083 = arith.mulf %get3A_1082, %get3A_87 : vector<16xf32>
          %add3A_1084 = arith.addf %add3A_1074, %mul3A_1083 : vector<16xf32>
          %get3A_1085 = arith.constant 1 : i32
          %get3A_1086 = arith.constant 7 : i32
          %get3A_1087 = arith.index_cast %get3A_1085 : i32 to index
          %get3A_1088 = arith.index_cast %scan3A_99 : i32 to index
          %get3A_1089 = arith.index_cast %get3A_1086 : i32 to index
          %get3A_1090 = arith.constant 80 : index
          %get3A_1091 = tpu.vector_load %arg5[%get3A_1087, %get3A_1088, %get3A_1089, %get3A_1090] {strides = array<i32>} : memref<2x32x8x128xf32, #tpu.memory_space<vmem>>, vector<1x1x1x16xf32>,
          %get3A_1092 = vector.shape_cast %get3A_1091 : vector<1x1x1x16xf32> to vector<16xf32>
          %mul3A_1093 = arith.mulf %get3A_1092, %get3A_92 : vector<16xf32>
          %add3A_1094 = arith.addf %add3A_1084, %mul3A_1093 : vector<16xf32>
          %swap3A_1095 = arith.index_cast %scan3A_99 : i32 to index
          %swap3A_1096 = arith.constant 80 : index
          %swap3A_1097 = tpu.vector_load %arg7[%swap3A_1095, %swap3A_1096] {strides = array<i32>} : memref<32x128xf32, #tpu.memory_space<vmem>>, vector<1x16xf32>,
          %swap3A_1098 = vector.shape_cast %swap3A_1097 : vector<1x16xf32> to vector<16xf32>
          %swap3A_1099 = vector.shape_cast %add3A_1094 : vector<16xf32> to vector<1x16xf32>
          tpu.vector_store %arg7[%swap3A_1095, %swap3A_1096], %swap3A_1099 {strides = array<i32>} : memref<32x128xf32, #tpu.memory_space<vmem>>, vector<1x16xf32>,
          %broadcast_in_dim3A_1100 = arith.constant 0.000000e+00 : f32
          %broadcast_in_dim3A_1101 = vector.broadcast %broadcast_in_dim3A_1100 : f32 to vector<16xf32>
          %get3A_1102 = arith.constant 0 : i32
          %get3A_1103 = arith.constant 0 : i32
          %get3A_1104 = arith.index_cast %get3A_1102 : i32 to index
          %get3A_1105 = arith.index_cast %scan3A_99 : i32 to index
          %get3A_1106 = arith.index_cast %get3A_1103 : i32 to index
          %get3A_1107 = arith.constant 96 : index
          %get3A_1108 = tpu.vector_load %arg5[%get3A_1104, %get3A_1105, %get3A_1106, %get3A_1107] {strides = array<i32>} : memref<2x32x8x128xf32, #tpu.memory_space<vmem>>, vector<1x1x1x16xf32>,
          %get3A_1109 = vector.shape_cast %get3A_1108 : vector<1x1x1x16xf32> to vector<16xf32>
          %mul3A_1110 = arith.mulf %get3A_1109, %get3A_17 : vector<16xf32>
          %add3A_1111 = arith.addf %broadcast_in_dim3A_1101, %mul3A_1110 : vector<16xf32>
          %get3A_1112 = arith.constant 0 : i32
          %get3A_1113 = arith.constant 1 : i32
          %get3A_1114 = arith.index_cast %get3A_1112 : i32 to index
          %get3A_1115 = arith.index_cast %scan3A_99 : i32 to index
          %get3A_1116 = arith.index_cast %get3A_1113 : i32 to index
          %get3A_1117 = arith.constant 96 : index
          %get3A_1118 = tpu.vector_load %arg5[%get3A_1114, %get3A_1115, %get3A_1116, %get3A_1117] {strides = array<i32>} : memref<2x32x8x128xf32, #tpu.memory_space<vmem>>, vector<1x1x1x16xf32>,
          %get3A_1119 = vector.shape_cast %get3A_1118 : vector<1x1x1x16xf32> to vector<16xf32>
          %mul3A_1120 = arith.mulf %get3A_1119, %get3A_22 : vector<16xf32>
          %add3A_1121 = arith.addf %add3A_1111, %mul3A_1120 : vector<16xf32>
          %get3A_1122 = arith.constant 0 : i32
          %get3A_1123 = arith.constant 2 : i32
          %get3A_1124 = arith.index_cast %get3A_1122 : i32 to index
          %get3A_1125 = arith.index_cast %scan3A_99 : i32 to index
          %get3A_1126 = arith.index_cast %get3A_1123 : i32 to index
          %get3A_1127 = arith.constant 96 : index
          %get3A_1128 = tpu.vector_load %arg5[%get3A_1124, %get3A_1125, %get3A_1126, %get3A_1127] {strides = array<i32>} : memref<2x32x8x128xf32, #tpu.memory_space<vmem>>, vector<1x1x1x16xf32>,
          %get3A_1129 = vector.shape_cast %get3A_1128 : vector<1x1x1x16xf32> to vector<16xf32>
          %mul3A_1130 = arith.mulf %get3A_1129, %get3A_27 : vector<16xf32>
          %add3A_1131 = arith.addf %add3A_1121, %mul3A_1130 : vector<16xf32>
          %get3A_1132 = arith.constant 0 : i32
          %get3A_1133 = arith.constant 3 : i32
          %get3A_1134 = arith.index_cast %get3A_1132 : i32 to index
          %get3A_1135 = arith.index_cast %scan3A_99 : i32 to index
          %get3A_1136 = arith.index_cast %get3A_1133 : i32 to index
          %get3A_1137 = arith.constant 96 : index
          %get3A_1138 = tpu.vector_load %arg5[%get3A_1134, %get3A_1135, %get3A_1136, %get3A_1137] {strides = array<i32>} : memref<2x32x8x128xf32, #tpu.memory_space<vmem>>, vector<1x1x1x16xf32>,
          %get3A_1139 = vector.shape_cast %get3A_1138 : vector<1x1x1x16xf32> to vector<16xf32>
          %mul3A_1140 = arith.mulf %get3A_1139, %get3A_32 : vector<16xf32>
          %add3A_1141 = arith.addf %add3A_1131, %mul3A_1140 : vector<16xf32>
          %get3A_1142 = arith.constant 0 : i32
          %get3A_1143 = arith.constant 4 : i32
          %get3A_1144 = arith.index_cast %get3A_1142 : i32 to index
          %get3A_1145 = arith.index_cast %scan3A_99 : i32 to index
          %get3A_1146 = arith.index_cast %get3A_1143 : i32 to index
          %get3A_1147 = arith.constant 96 : index
          %get3A_1148 = tpu.vector_load %arg5[%get3A_1144, %get3A_1145, %get3A_1146, %get3A_1147] {strides = array<i32>} : memref<2x32x8x128xf32, #tpu.memory_space<vmem>>, vector<1x1x1x16xf32>,
          %get3A_1149 = vector.shape_cast %get3A_1148 : vector<1x1x1x16xf32> to vector<16xf32>
          %mul3A_1150 = arith.mulf %get3A_1149, %get3A_37 : vector<16xf32>
          %add3A_1151 = arith.addf %add3A_1141, %mul3A_1150 : vector<16xf32>
          %get3A_1152 = arith.constant 0 : i32
          %get3A_1153 = arith.constant 5 : i32
          %get3A_1154 = arith.index_cast %get3A_1152 : i32 to index
          %get3A_1155 = arith.index_cast %scan3A_99 : i32 to index
          %get3A_1156 = arith.index_cast %get3A_1153 : i32 to index
          %get3A_1157 = arith.constant 96 : index
          %get3A_1158 = tpu.vector_load %arg5[%get3A_1154, %get3A_1155, %get3A_1156, %get3A_1157] {strides = array<i32>} : memref<2x32x8x128xf32, #tpu.memory_space<vmem>>, vector<1x1x1x16xf32>,
          %get3A_1159 = vector.shape_cast %get3A_1158 : vector<1x1x1x16xf32> to vector<16xf32>
          %mul3A_1160 = arith.mulf %get3A_1159, %get3A_42 : vector<16xf32>
          %add3A_1161 = arith.addf %add3A_1151, %mul3A_1160 : vector<16xf32>
          %get3A_1162 = arith.constant 0 : i32
          %get3A_1163 = arith.constant 6 : i32
          %get3A_1164 = arith.index_cast %get3A_1162 : i32 to index
          %get3A_1165 = arith.index_cast %scan3A_99 : i32 to index
          %get3A_1166 = arith.index_cast %get3A_1163 : i32 to index
          %get3A_1167 = arith.constant 96 : index
          %get3A_1168 = tpu.vector_load %arg5[%get3A_1164, %get3A_1165, %get3A_1166, %get3A_1167] {strides = array<i32>} : memref<2x32x8x128xf32, #tpu.memory_space<vmem>>, vector<1x1x1x16xf32>,
          %get3A_1169 = vector.shape_cast %get3A_1168 : vector<1x1x1x16xf32> to vector<16xf32>
          %mul3A_1170 = arith.mulf %get3A_1169, %get3A_47 : vector<16xf32>
          %add3A_1171 = arith.addf %add3A_1161, %mul3A_1170 : vector<16xf32>
          %get3A_1172 = arith.constant 0 : i32
          %get3A_1173 = arith.constant 7 : i32
          %get3A_1174 = arith.index_cast %get3A_1172 : i32 to index
          %get3A_1175 = arith.index_cast %scan3A_99 : i32 to index
          %get3A_1176 = arith.index_cast %get3A_1173 : i32 to index
          %get3A_1177 = arith.constant 96 : index
          %get3A_1178 = tpu.vector_load %arg5[%get3A_1174, %get3A_1175, %get3A_1176, %get3A_1177] {strides = array<i32>} : memref<2x32x8x128xf32, #tpu.memory_space<vmem>>, vector<1x1x1x16xf32>,
          %get3A_1179 = vector.shape_cast %get3A_1178 : vector<1x1x1x16xf32> to vector<16xf32>
          %mul3A_1180 = arith.mulf %get3A_1179, %get3A_52 : vector<16xf32>
          %add3A_1181 = arith.addf %add3A_1171, %mul3A_1180 : vector<16xf32>
          %get3A_1182 = arith.constant 1 : i32
          %get3A_1183 = arith.constant 0 : i32
          %get3A_1184 = arith.index_cast %get3A_1182 : i32 to index
          %get3A_1185 = arith.index_cast %scan3A_99 : i32 to index
          %get3A_1186 = arith.index_cast %get3A_1183 : i32 to index
          %get3A_1187 = arith.constant 96 : index
          %get3A_1188 = tpu.vector_load %arg5[%get3A_1184, %get3A_1185, %get3A_1186, %get3A_1187] {strides = array<i32>} : memref<2x32x8x128xf32, #tpu.memory_space<vmem>>, vector<1x1x1x16xf32>,
          %get3A_1189 = vector.shape_cast %get3A_1188 : vector<1x1x1x16xf32> to vector<16xf32>
          %mul3A_1190 = arith.mulf %get3A_1189, %get3A_57 : vector<16xf32>
          %add3A_1191 = arith.addf %add3A_1181, %mul3A_1190 : vector<16xf32>
          %get3A_1192 = arith.constant 1 : i32
          %get3A_1193 = arith.constant 1 : i32
          %get3A_1194 = arith.index_cast %get3A_1192 : i32 to index
          %get3A_1195 = arith.index_cast %scan3A_99 : i32 to index
          %get3A_1196 = arith.index_cast %get3A_1193 : i32 to index
          %get3A_1197 = arith.constant 96 : index
          %get3A_1198 = tpu.vector_load %arg5[%get3A_1194, %get3A_1195, %get3A_1196, %get3A_1197] {strides = array<i32>} : memref<2x32x8x128xf32, #tpu.memory_space<vmem>>, vector<1x1x1x16xf32>,
          %get3A_1199 = vector.shape_cast %get3A_1198 : vector<1x1x1x16xf32> to vector<16xf32>
          %mul3A_1200 = arith.mulf %get3A_1199, %get3A_62 : vector<16xf32>
          %add3A_1201 = arith.addf %add3A_1191, %mul3A_1200 : vector<16xf32>
          %get3A_1202 = arith.constant 1 : i32
          %get3A_1203 = arith.constant 2 : i32
          %get3A_1204 = arith.index_cast %get3A_1202 : i32 to index
          %get3A_1205 = arith.index_cast %scan3A_99 : i32 to index
          %get3A_1206 = arith.index_cast %get3A_1203 : i32 to index
          %get3A_1207 = arith.constant 96 : index
          %get3A_1208 = tpu.vector_load %arg5[%get3A_1204, %get3A_1205, %get3A_1206, %get3A_1207] {strides = array<i32>} : memref<2x32x8x128xf32, #tpu.memory_space<vmem>>, vector<1x1x1x16xf32>,
          %get3A_1209 = vector.shape_cast %get3A_1208 : vector<1x1x1x16xf32> to vector<16xf32>
          %mul3A_1210 = arith.mulf %get3A_1209, %get3A_67 : vector<16xf32>
          %add3A_1211 = arith.addf %add3A_1201, %mul3A_1210 : vector<16xf32>
          %get3A_1212 = arith.constant 1 : i32
          %get3A_1213 = arith.constant 3 : i32
          %get3A_1214 = arith.index_cast %get3A_1212 : i32 to index
          %get3A_1215 = arith.index_cast %scan3A_99 : i32 to index
          %get3A_1216 = arith.index_cast %get3A_1213 : i32 to index
          %get3A_1217 = arith.constant 96 : index
          %get3A_1218 = tpu.vector_load %arg5[%get3A_1214, %get3A_1215, %get3A_1216, %get3A_1217] {strides = array<i32>} : memref<2x32x8x128xf32, #tpu.memory_space<vmem>>, vector<1x1x1x16xf32>,
          %get3A_1219 = vector.shape_cast %get3A_1218 : vector<1x1x1x16xf32> to vector<16xf32>
          %mul3A_1220 = arith.mulf %get3A_1219, %get3A_72 : vector<16xf32>
          %add3A_1221 = arith.addf %add3A_1211, %mul3A_1220 : vector<16xf32>
          %get3A_1222 = arith.constant 1 : i32
          %get3A_1223 = arith.constant 4 : i32
          %get3A_1224 = arith.index_cast %get3A_1222 : i32 to index
          %get3A_1225 = arith.index_cast %scan3A_99 : i32 to index
          %get3A_1226 = arith.index_cast %get3A_1223 : i32 to index
          %get3A_1227 = arith.constant 96 : index
          %get3A_1228 = tpu.vector_load %arg5[%get3A_1224, %get3A_1225, %get3A_1226, %get3A_1227] {strides = array<i32>} : memref<2x32x8x128xf32, #tpu.memory_space<vmem>>, vector<1x1x1x16xf32>,
          %get3A_1229 = vector.shape_cast %get3A_1228 : vector<1x1x1x16xf32> to vector<16xf32>
          %mul3A_1230 = arith.mulf %get3A_1229, %get3A_77 : vector<16xf32>
          %add3A_1231 = arith.addf %add3A_1221, %mul3A_1230 : vector<16xf32>
          %get3A_1232 = arith.constant 1 : i32
          %get3A_1233 = arith.constant 5 : i32
          %get3A_1234 = arith.index_cast %get3A_1232 : i32 to index
          %get3A_1235 = arith.index_cast %scan3A_99 : i32 to index
          %get3A_1236 = arith.index_cast %get3A_1233 : i32 to index
          %get3A_1237 = arith.constant 96 : index
          %get3A_1238 = tpu.vector_load %arg5[%get3A_1234, %get3A_1235, %get3A_1236, %get3A_1237] {strides = array<i32>} : memref<2x32x8x128xf32, #tpu.memory_space<vmem>>, vector<1x1x1x16xf32>,
          %get3A_1239 = vector.shape_cast %get3A_1238 : vector<1x1x1x16xf32> to vector<16xf32>
          %mul3A_1240 = arith.mulf %get3A_1239, %get3A_82 : vector<16xf32>
          %add3A_1241 = arith.addf %add3A_1231, %mul3A_1240 : vector<16xf32>
          %get3A_1242 = arith.constant 1 : i32
          %get3A_1243 = arith.constant 6 : i32
          %get3A_1244 = arith.index_cast %get3A_1242 : i32 to index
          %get3A_1245 = arith.index_cast %scan3A_99 : i32 to index
          %get3A_1246 = arith.index_cast %get3A_1243 : i32 to index
          %get3A_1247 = arith.constant 96 : index
          %get3A_1248 = tpu.vector_load %arg5[%get3A_1244, %get3A_1245, %get3A_1246, %get3A_1247] {strides = array<i32>} : memref<2x32x8x128xf32, #tpu.memory_space<vmem>>, vector<1x1x1x16xf32>,
          %get3A_1249 = vector.shape_cast %get3A_1248 : vector<1x1x1x16xf32> to vector<16xf32>
          %mul3A_1250 = arith.mulf %get3A_1249, %get3A_87 : vector<16xf32>
          %add3A_1251 = arith.addf %add3A_1241, %mul3A_1250 : vector<16xf32>
          %get3A_1252 = arith.constant 1 : i32
          %get3A_1253 = arith.constant 7 : i32
          %get3A_1254 = arith.index_cast %get3A_1252 : i32 to index
          %get3A_1255 = arith.index_cast %scan3A_99 : i32 to index
          %get3A_1256 = arith.index_cast %get3A_1253 : i32 to index
          %get3A_1257 = arith.constant 96 : index
          %get3A_1258 = tpu.vector_load %arg5[%get3A_1254, %get3A_1255, %get3A_1256, %get3A_1257] {strides = array<i32>} : memref<2x32x8x128xf32, #tpu.memory_space<vmem>>, vector<1x1x1x16xf32>,
          %get3A_1259 = vector.shape_cast %get3A_1258 : vector<1x1x1x16xf32> to vector<16xf32>
          %mul3A_1260 = arith.mulf %get3A_1259, %get3A_92 : vector<16xf32>
          %add3A_1261 = arith.addf %add3A_1251, %mul3A_1260 : vector<16xf32>
          %swap3A_1262 = arith.index_cast %scan3A_99 : i32 to index
          %swap3A_1263 = arith.constant 96 : index
          %swap3A_1264 = tpu.vector_load %arg7[%swap3A_1262, %swap3A_1263] {strides = array<i32>} : memref<32x128xf32, #tpu.memory_space<vmem>>, vector<1x16xf32>,
          %swap3A_1265 = vector.shape_cast %swap3A_1264 : vector<1x16xf32> to vector<16xf32>
          %swap3A_1266 = vector.shape_cast %add3A_1261 : vector<16xf32> to vector<1x16xf32>
          tpu.vector_store %arg7[%swap3A_1262, %swap3A_1263], %swap3A_1266 {strides = array<i32>} : memref<32x128xf32, #tpu.memory_space<vmem>>, vector<1x16xf32>,
          %broadcast_in_dim3A_1267 = arith.constant 0.000000e+00 : f32
          %broadcast_in_dim3A_1268 = vector.broadcast %broadcast_in_dim3A_1267 : f32 to vector<16xf32>
          %get3A_1269 = arith.constant 0 : i32
          %get3A_1270 = arith.constant 0 : i32
          %get3A_1271 = arith.index_cast %get3A_1269 : i32 to index
          %get3A_1272 = arith.index_cast %scan3A_99 : i32 to index
          %get3A_1273 = arith.index_cast %get3A_1270 : i32 to index
          %get3A_1274 = arith.constant 112 : index
          %get3A_1275 = tpu.vector_load %arg5[%get3A_1271, %get3A_1272, %get3A_1273, %get3A_1274] {strides = array<i32>} : memref<2x32x8x128xf32, #tpu.memory_space<vmem>>, vector<1x1x1x16xf32>,
          %get3A_1276 = vector.shape_cast %get3A_1275 : vector<1x1x1x16xf32> to vector<16xf32>
          %mul3A_1277 = arith.mulf %get3A_1276, %get3A_17 : vector<16xf32>
          %add3A_1278 = arith.addf %broadcast_in_dim3A_1268, %mul3A_1277 : vector<16xf32>
          %get3A_1279 = arith.constant 0 : i32
          %get3A_1280 = arith.constant 1 : i32
          %get3A_1281 = arith.index_cast %get3A_1279 : i32 to index
          %get3A_1282 = arith.index_cast %scan3A_99 : i32 to index
          %get3A_1283 = arith.index_cast %get3A_1280 : i32 to index
          %get3A_1284 = arith.constant 112 : index
          %get3A_1285 = tpu.vector_load %arg5[%get3A_1281, %get3A_1282, %get3A_1283, %get3A_1284] {strides = array<i32>} : memref<2x32x8x128xf32, #tpu.memory_space<vmem>>, vector<1x1x1x16xf32>,
          %get3A_1286 = vector.shape_cast %get3A_1285 : vector<1x1x1x16xf32> to vector<16xf32>
          %mul3A_1287 = arith.mulf %get3A_1286, %get3A_22 : vector<16xf32>
          %add3A_1288 = arith.addf %add3A_1278, %mul3A_1287 : vector<16xf32>
          %get3A_1289 = arith.constant 0 : i32
          %get3A_1290 = arith.constant 2 : i32
          %get3A_1291 = arith.index_cast %get3A_1289 : i32 to index
          %get3A_1292 = arith.index_cast %scan3A_99 : i32 to index
          %get3A_1293 = arith.index_cast %get3A_1290 : i32 to index
          %get3A_1294 = arith.constant 112 : index
          %get3A_1295 = tpu.vector_load %arg5[%get3A_1291, %get3A_1292, %get3A_1293, %get3A_1294] {strides = array<i32>} : memref<2x32x8x128xf32, #tpu.memory_space<vmem>>, vector<1x1x1x16xf32>,
          %get3A_1296 = vector.shape_cast %get3A_1295 : vector<1x1x1x16xf32> to vector<16xf32>
          %mul3A_1297 = arith.mulf %get3A_1296, %get3A_27 : vector<16xf32>
          %add3A_1298 = arith.addf %add3A_1288, %mul3A_1297 : vector<16xf32>
          %get3A_1299 = arith.constant 0 : i32
          %get3A_1300 = arith.constant 3 : i32
          %get3A_1301 = arith.index_cast %get3A_1299 : i32 to index
          %get3A_1302 = arith.index_cast %scan3A_99 : i32 to index
          %get3A_1303 = arith.index_cast %get3A_1300 : i32 to index
          %get3A_1304 = arith.constant 112 : index
          %get3A_1305 = tpu.vector_load %arg5[%get3A_1301, %get3A_1302, %get3A_1303, %get3A_1304] {strides = array<i32>} : memref<2x32x8x128xf32, #tpu.memory_space<vmem>>, vector<1x1x1x16xf32>,
          %get3A_1306 = vector.shape_cast %get3A_1305 : vector<1x1x1x16xf32> to vector<16xf32>
          %mul3A_1307 = arith.mulf %get3A_1306, %get3A_32 : vector<16xf32>
          %add3A_1308 = arith.addf %add3A_1298, %mul3A_1307 : vector<16xf32>
          %get3A_1309 = arith.constant 0 : i32
          %get3A_1310 = arith.constant 4 : i32
          %get3A_1311 = arith.index_cast %get3A_1309 : i32 to index
          %get3A_1312 = arith.index_cast %scan3A_99 : i32 to index
          %get3A_1313 = arith.index_cast %get3A_1310 : i32 to index
          %get3A_1314 = arith.constant 112 : index
          %get3A_1315 = tpu.vector_load %arg5[%get3A_1311, %get3A_1312, %get3A_1313, %get3A_1314] {strides = array<i32>} : memref<2x32x8x128xf32, #tpu.memory_space<vmem>>, vector<1x1x1x16xf32>,
          %get3A_1316 = vector.shape_cast %get3A_1315 : vector<1x1x1x16xf32> to vector<16xf32>
          %mul3A_1317 = arith.mulf %get3A_1316, %get3A_37 : vector<16xf32>
          %add3A_1318 = arith.addf %add3A_1308, %mul3A_1317 : vector<16xf32>
          %get3A_1319 = arith.constant 0 : i32
          %get3A_1320 = arith.constant 5 : i32
          %get3A_1321 = arith.index_cast %get3A_1319 : i32 to index
          %get3A_1322 = arith.index_cast %scan3A_99 : i32 to index
          %get3A_1323 = arith.index_cast %get3A_1320 : i32 to index
          %get3A_1324 = arith.constant 112 : index
          %get3A_1325 = tpu.vector_load %arg5[%get3A_1321, %get3A_1322, %get3A_1323, %get3A_1324] {strides = array<i32>} : memref<2x32x8x128xf32, #tpu.memory_space<vmem>>, vector<1x1x1x16xf32>,
          %get3A_1326 = vector.shape_cast %get3A_1325 : vector<1x1x1x16xf32> to vector<16xf32>
          %mul3A_1327 = arith.mulf %get3A_1326, %get3A_42 : vector<16xf32>
          %add3A_1328 = arith.addf %add3A_1318, %mul3A_1327 : vector<16xf32>
          %get3A_1329 = arith.constant 0 : i32
          %get3A_1330 = arith.constant 6 : i32
          %get3A_1331 = arith.index_cast %get3A_1329 : i32 to index
          %get3A_1332 = arith.index_cast %scan3A_99 : i32 to index
          %get3A_1333 = arith.index_cast %get3A_1330 : i32 to index
          %get3A_1334 = arith.constant 112 : index
          %get3A_1335 = tpu.vector_load %arg5[%get3A_1331, %get3A_1332, %get3A_1333, %get3A_1334] {strides = array<i32>} : memref<2x32x8x128xf32, #tpu.memory_space<vmem>>, vector<1x1x1x16xf32>,
          %get3A_1336 = vector.shape_cast %get3A_1335 : vector<1x1x1x16xf32> to vector<16xf32>
          %mul3A_1337 = arith.mulf %get3A_1336, %get3A_47 : vector<16xf32>
          %add3A_1338 = arith.addf %add3A_1328, %mul3A_1337 : vector<16xf32>
          %get3A_1339 = arith.constant 0 : i32
          %get3A_1340 = arith.constant 7 : i32
          %get3A_1341 = arith.index_cast %get3A_1339 : i32 to index
          %get3A_1342 = arith.index_cast %scan3A_99 : i32 to index
          %get3A_1343 = arith.index_cast %get3A_1340 : i32 to index
          %get3A_1344 = arith.constant 112 : index
          %get3A_1345 = tpu.vector_load %arg5[%get3A_1341, %get3A_1342, %get3A_1343, %get3A_1344] {strides = array<i32>} : memref<2x32x8x128xf32, #tpu.memory_space<vmem>>, vector<1x1x1x16xf32>,
          %get3A_1346 = vector.shape_cast %get3A_1345 : vector<1x1x1x16xf32> to vector<16xf32>
          %mul3A_1347 = arith.mulf %get3A_1346, %get3A_52 : vector<16xf32>
          %add3A_1348 = arith.addf %add3A_1338, %mul3A_1347 : vector<16xf32>
          %get3A_1349 = arith.constant 1 : i32
          %get3A_1350 = arith.constant 0 : i32
          %get3A_1351 = arith.index_cast %get3A_1349 : i32 to index
          %get3A_1352 = arith.index_cast %scan3A_99 : i32 to index
          %get3A_1353 = arith.index_cast %get3A_1350 : i32 to index
          %get3A_1354 = arith.constant 112 : index
          %get3A_1355 = tpu.vector_load %arg5[%get3A_1351, %get3A_1352, %get3A_1353, %get3A_1354] {strides = array<i32>} : memref<2x32x8x128xf32, #tpu.memory_space<vmem>>, vector<1x1x1x16xf32>,
          %get3A_1356 = vector.shape_cast %get3A_1355 : vector<1x1x1x16xf32> to vector<16xf32>
          %mul3A_1357 = arith.mulf %get3A_1356, %get3A_57 : vector<16xf32>
          %add3A_1358 = arith.addf %add3A_1348, %mul3A_1357 : vector<16xf32>
          %get3A_1359 = arith.constant 1 : i32
          %get3A_1360 = arith.constant 1 : i32
          %get3A_1361 = arith.index_cast %get3A_1359 : i32 to index
          %get3A_1362 = arith.index_cast %scan3A_99 : i32 to index
          %get3A_1363 = arith.index_cast %get3A_1360 : i32 to index
          %get3A_1364 = arith.constant 112 : index
          %get3A_1365 = tpu.vector_load %arg5[%get3A_1361, %get3A_1362, %get3A_1363, %get3A_1364] {strides = array<i32>} : memref<2x32x8x128xf32, #tpu.memory_space<vmem>>, vector<1x1x1x16xf32>,
          %get3A_1366 = vector.shape_cast %get3A_1365 : vector<1x1x1x16xf32> to vector<16xf32>
          %mul3A_1367 = arith.mulf %get3A_1366, %get3A_62 : vector<16xf32>
          %add3A_1368 = arith.addf %add3A_1358, %mul3A_1367 : vector<16xf32>
          %get3A_1369 = arith.constant 1 : i32
          %get3A_1370 = arith.constant 2 : i32
          %get3A_1371 = arith.index_cast %get3A_1369 : i32 to index
          %get3A_1372 = arith.index_cast %scan3A_99 : i32 to index
          %get3A_1373 = arith.index_cast %get3A_1370 : i32 to index
          %get3A_1374 = arith.constant 112 : index
          %get3A_1375 = tpu.vector_load %arg5[%get3A_1371, %get3A_1372, %get3A_1373, %get3A_1374] {strides = array<i32>} : memref<2x32x8x128xf32, #tpu.memory_space<vmem>>, vector<1x1x1x16xf32>,
          %get3A_1376 = vector.shape_cast %get3A_1375 : vector<1x1x1x16xf32> to vector<16xf32>
          %mul3A_1377 = arith.mulf %get3A_1376, %get3A_67 : vector<16xf32>
          %add3A_1378 = arith.addf %add3A_1368, %mul3A_1377 : vector<16xf32>
          %get3A_1379 = arith.constant 1 : i32
          %get3A_1380 = arith.constant 3 : i32
          %get3A_1381 = arith.index_cast %get3A_1379 : i32 to index
          %get3A_1382 = arith.index_cast %scan3A_99 : i32 to index
          %get3A_1383 = arith.index_cast %get3A_1380 : i32 to index
          %get3A_1384 = arith.constant 112 : index
          %get3A_1385 = tpu.vector_load %arg5[%get3A_1381, %get3A_1382, %get3A_1383, %get3A_1384] {strides = array<i32>} : memref<2x32x8x128xf32, #tpu.memory_space<vmem>>, vector<1x1x1x16xf32>,
          %get3A_1386 = vector.shape_cast %get3A_1385 : vector<1x1x1x16xf32> to vector<16xf32>
          %mul3A_1387 = arith.mulf %get3A_1386, %get3A_72 : vector<16xf32>
          %add3A_1388 = arith.addf %add3A_1378, %mul3A_1387 : vector<16xf32>
          %get3A_1389 = arith.constant 1 : i32
          %get3A_1390 = arith.constant 4 : i32
          %get3A_1391 = arith.index_cast %get3A_1389 : i32 to index
          %get3A_1392 = arith.index_cast %scan3A_99 : i32 to index
          %get3A_1393 = arith.index_cast %get3A_1390 : i32 to index
          %get3A_1394 = arith.constant 112 : index
          %get3A_1395 = tpu.vector_load %arg5[%get3A_1391, %get3A_1392, %get3A_1393, %get3A_1394] {strides = array<i32>} : memref<2x32x8x128xf32, #tpu.memory_space<vmem>>, vector<1x1x1x16xf32>,
          %get3A_1396 = vector.shape_cast %get3A_1395 : vector<1x1x1x16xf32> to vector<16xf32>
          %mul3A_1397 = arith.mulf %get3A_1396, %get3A_77 : vector<16xf32>
          %add3A_1398 = arith.addf %add3A_1388, %mul3A_1397 : vector<16xf32>
          %get3A_1399 = arith.constant 1 : i32
          %get3A_1400 = arith.constant 5 : i32
          %get3A_1401 = arith.index_cast %get3A_1399 : i32 to index
          %get3A_1402 = arith.index_cast %scan3A_99 : i32 to index
          %get3A_1403 = arith.index_cast %get3A_1400 : i32 to index
          %get3A_1404 = arith.constant 112 : index
          %get3A_1405 = tpu.vector_load %arg5[%get3A_1401, %get3A_1402, %get3A_1403, %get3A_1404] {strides = array<i32>} : memref<2x32x8x128xf32, #tpu.memory_space<vmem>>, vector<1x1x1x16xf32>,
          %get3A_1406 = vector.shape_cast %get3A_1405 : vector<1x1x1x16xf32> to vector<16xf32>
          %mul3A_1407 = arith.mulf %get3A_1406, %get3A_82 : vector<16xf32>
          %add3A_1408 = arith.addf %add3A_1398, %mul3A_1407 : vector<16xf32>
          %get3A_1409 = arith.constant 1 : i32
          %get3A_1410 = arith.constant 6 : i32
          %get3A_1411 = arith.index_cast %get3A_1409 : i32 to index
          %get3A_1412 = arith.index_cast %scan3A_99 : i32 to index
          %get3A_1413 = arith.index_cast %get3A_1410 : i32 to index
          %get3A_1414 = arith.constant 112 : index
          %get3A_1415 = tpu.vector_load %arg5[%get3A_1411, %get3A_1412, %get3A_1413, %get3A_1414] {strides = array<i32>} : memref<2x32x8x128xf32, #tpu.memory_space<vmem>>, vector<1x1x1x16xf32>,
          %get3A_1416 = vector.shape_cast %get3A_1415 : vector<1x1x1x16xf32> to vector<16xf32>
          %mul3A_1417 = arith.mulf %get3A_1416, %get3A_87 : vector<16xf32>
          %add3A_1418 = arith.addf %add3A_1408, %mul3A_1417 : vector<16xf32>
          %get3A_1419 = arith.constant 1 : i32
          %get3A_1420 = arith.constant 7 : i32
          %get3A_1421 = arith.index_cast %get3A_1419 : i32 to index
          %get3A_1422 = arith.index_cast %scan3A_99 : i32 to index
          %get3A_1423 = arith.index_cast %get3A_1420 : i32 to index
          %get3A_1424 = arith.constant 112 : index
          %get3A_1425 = tpu.vector_load %arg5[%get3A_1421, %get3A_1422, %get3A_1423, %get3A_1424] {strides = array<i32>} : memref<2x32x8x128xf32, #tpu.memory_space<vmem>>, vector<1x1x1x16xf32>,
          %get3A_1426 = vector.shape_cast %get3A_1425 : vector<1x1x1x16xf32> to vector<16xf32>
          %mul3A_1427 = arith.mulf %get3A_1426, %get3A_92 : vector<16xf32>
          %add3A_1428 = arith.addf %add3A_1418, %mul3A_1427 : vector<16xf32>
          %swap3A_1429 = arith.index_cast %scan3A_99 : i32 to index
          %swap3A_1430 = arith.constant 112 : index
          %swap3A_1431 = tpu.vector_load %arg7[%swap3A_1429, %swap3A_1430] {strides = array<i32>} : memref<32x128xf32, #tpu.memory_space<vmem>>, vector<1x16xf32>,
          %swap3A_1432 = vector.shape_cast %swap3A_1431 : vector<1x16xf32> to vector<16xf32>
          %swap3A_1433 = vector.shape_cast %add3A_1428 : vector<16xf32> to vector<1x16xf32>
          tpu.vector_store %arg7[%swap3A_1429, %swap3A_1430], %swap3A_1433 {strides = array<i32>} : memref<32x128xf32, #tpu.memory_space<vmem>>, vector<1x16xf32>,
        }
        %scan3A_98 = arith.constant 32 : i32
        "tpu.region"() ({
          %run_scoped3A = tpu.sem_alloc : memref<!tpu.dma_semaphore, #tpu.memory_space<semaphore_mem>>
          %dma_start3A = arith.constant 0 : i32
          %dma_start3A_99 = arith.constant 0 : i32
          %dma_start3A_100 = tpu.memref_slice %arg4[%add3A_9, %dma_start3A, %dma_start3A_99] : memref<1000x32x128xf32, #tpu.memory_space<hbm>> -> memref<1x32x128xf32, #tpu.memory_space<hbm>>
          %dma_start3A_101 = tpu.memref_squeeze %dma_start3A_100 : memref<1x32x128xf32, #tpu.memory_space<hbm>> -> memref<32x128xf32, #tpu.memory_space<hbm>>
          %dma_start3A_102 = arith.constant 0 : i32
          %dma_start3A_103 = arith.constant 0 : i32
          %dma_start3A_104 = tpu.memref_slice %arg4[%add3A_9, %dma_start3A_102, %dma_start3A_103] : memref<1000x32x128xf32, #tpu.memory_space<hbm>> -> memref<1x32x128xf32, #tpu.memory_space<hbm>>
          %dma_start3A_105 = tpu.memref_squeeze %dma_start3A_104 : memref<1x32x128xf32, #tpu.memory_space<hbm>> -> memref<32x128xf32, #tpu.memory_space<hbm>>
          tpu.enqueue_dma source(%arg7 : memref<32x128xf32, #tpu.memory_space<vmem>>) target(%dma_start3A_105 : memref<32x128xf32, #tpu.memory_space<hbm>>) target_semaphore(%run_scoped3A : memref<!tpu.dma_semaphore, #tpu.memory_space<semaphore_mem>>)
          %dma_wait3A = arith.constant 0 : i32
          %dma_wait3A_106 = arith.constant 0 : i32
          %dma_wait3A_107 = tpu.memref_slice %arg4[%add3A_9, %dma_wait3A, %dma_wait3A_106] : memref<1000x32x128xf32, #tpu.memory_space<hbm>> -> memref<1x32x128xf32, #tpu.memory_space<hbm>>
          %dma_wait3A_108 = tpu.memref_squeeze %dma_wait3A_107 : memref<1x32x128xf32, #tpu.memory_space<hbm>> -> memref<32x128xf32, #tpu.memory_space<hbm>>
          %dma_wait3A_109 = arith.constant 0 : i32
          %dma_wait3A_110 = arith.constant 0 : i32
          %dma_wait3A_111 = tpu.memref_slice %arg4[%add3A_9, %dma_wait3A_109, %dma_wait3A_110] : memref<1000x32x128xf32, #tpu.memory_space<hbm>> -> memref<1x32x128xf32, #tpu.memory_space<hbm>>
          %dma_wait3A_112 = tpu.memref_squeeze %dma_wait3A_111 : memref<1x32x128xf32, #tpu.memory_space<hbm>> -> memref<32x128xf32, #tpu.memory_space<hbm>>
          tpu.wait_dma2 semaphore(%run_scoped3A : memref<!tpu.dma_semaphore, #tpu.memory_space<semaphore_mem>>) src(%arg7 : memref<32x128xf32, #tpu.memory_space<vmem>>) dst(%dma_wait3A_112 : memref<32x128xf32, #tpu.memory_space<hbm>>)
          tpu.yield
        }) : () -> ()
      } else {
      }
    }
    %scan3A_5 = arith.constant 32 : i32
    return
  }
}

</mosaic_0001>

<sc_bundles>
// kernel: kernel.3.cloned.1.call-start
scs
__scs_entry_jumppad:
0x0: {  	(pc) =	sbr.rel $0x88, $3  }
0x1: {  	(tag) =	ssettag $0x0;
	lr =	simm.s32 $0x1  }
0x2: {  	[smem:$0x3F9F] =	sst lr;
	_ =	strace $0xD0000000  }
0x3: {  	_ = 	snop  }
0x4: {  	_ = 	snop  }
0x5: {  	_ = 	snop  }
0x6: {  	_ = 	snop  }
0x7: {  	_ = 	snop  }
__scs_overlays_trampoline_lowered:
0x8: {  	[smem:$0x3FAE] =	sst s0  }
0x9: {  	[smem:$0x3FAF] =	sst s1  }
0xa: {  	[smem:$0x3FB0] =	sst s2  }
0xb: {  	[smem:$0x3FB1] =	sst s3  }
0xc: {  	[smem:$0x3FB2] =	sst s4  }
0xd: {  	[smem:$0x3FB3] =	sst s5  }
0xe: {  	[smem:$0x3FB4] =	sst s6  }
0xf: {  	[smem:$0x3FB5] =	sst s7  }
0x10: {  	[smem:$0x3FB6] =	sst s8  }
0x11: {  	[smem:$0x3FB7] =	sst s9;
	s0 =	simm.s32 @!p0 $0x0  }
0x12: {  	s1 =	sld [smem:$0x3F9D];
	s0 =	simm.s32 @p0 $0x1  }
0x13: {  	[smem:$0x3FB8] =	sst s0;
	s0 =	simm.s32 @!p1 $0x0  }
0x14: {  	s2 =	sld [smem:$0x3F9C];
	s0 =	simm.s32 @p1 $0x1  }
0x15: {  	[smem:$0x3FB9] =	sst s0;
	s0 =	simm.s32 @!p2 $0x0  }
0x16: {  	s3 =	sld [smem:$0x3FDB];
	s0 =	simm.s32 @p2 $0x1  }
0x17: {  	s4 =	simm.s32 $0x1BF5;
	[smem:$0x3FBB] =	sst s0  }
0x18: {  	s0 =	sld [smem:$0x3F9E];
	_ =	swait.ge [sflag:s4], $0x0  }
0x19: {  	s7 =	sld [smem:$0x3F9F]  }
0x1a: {  	s8 =	sadd.s32 $0xFFFFE003, lr  }
0x1b: {  	s9 =	sadd.s32 $0xFFFFFEF7, lr;
	s5 =	simm.s32 $0xFFFFFFFF;
	p2 =	slt.u32 s8, $0xFFFFF086  }
0x1c: {  	p1 =	slt.u32 s9, $0xF7A;
	s5 =	simm.s32 @!p2 $0x0  }
0x1d: {  	s5 =	simm.s32 @p1 $0x1;
	p0 =	seq.s32 s7, s2  }
0x1e: {  	s7 =	smul.u32 @!p0 $0xF7A, s2;
	p2 =	seq.s32 @!p0 s5, $0x0  }
0x1f: {  	s9 =	smul.u32 $0xF7A, s1;
	s8 =	simm.s32 @!p0 $0x1BF5;
	p2 =	por !p2, p0  }
0x20: {  	[sflag:s8] =	ssyncset.s32 @!p0 $0xFFFFF086;
	s6 =	sadd.s32 @!p0 s3, s7;
	s7 =	simm.s32 @!p0 $0x108  }
0x21: {  	s3 =	sadd.s32 s3, s9;
	s6 =	sadd.s32 @!p0 $0x88, s6;
	s7 =	simm.s32 @p2 $0x1082  }
0x22: {  	[simem:s7], [sflag:s8] =	dma.local @!p0 [hbm:s6], $0xF7A  }
0x23: {  	s9 =	sor.u32 $0xD0000000, s2;
	s6 =	simm.s32 $0x108;
	_ =	swait.ge @!p0 [sflag:s8], $0x0  }
0x24: {  	s3 =	sadd.s32 $0x88, s3;
	s6 =	simm.s32 @!p1 $0x1082;
	[sflag:s4] =	ssyncset.s32 $0xFFFFF086  }
0x25: {  	[simem:s6], [sflag:s4] =	dma.local [hbm:s3], $0xF7A  }
0x26: {  	[smem:$0x3F9F] =	sst s1;
	(tag) =	ssettag s2;
	_ =	strace s9  }
0x27: {  	s1 =	sld [smem:$0x3FAF]  }
0x28: {  	s2 =	sld [smem:$0x3FB0]  }
0x29: {  	s4 =	sld [smem:$0x3FB2]  }
0x2a: {  	p0 =	seq.s32 s5, $0x0;
	s5 =	sld [smem:$0x3FB3]  }
0x2b: {  	s6 =	sld [smem:$0x3FB4]  }
0x2c: {  	s7 =	sld [smem:$0x3FB5]  }
0x2d: {  	s3 =	simm.s32 $0x108;
	s8 =	sld [smem:$0x3FB6]  }
0x2e: {  	s3 =	simm.s32 @!p0 $0x1082;
	s9 =	sld [smem:$0x3FB7]  }
0x2f: {  	lr =	sadd.s32 s0, s3;
	s0 =	sld [smem:$0x3FAE]  }
0x30: {  	s3 =	sld [smem:$0x3FB1]  }
0x31: {  	[smem:$0x3FBA] =	sst s10  }
0x32: {  	s10 =	sld [smem:$0x3FB8];
	_ =	sdelay $0x3  }
0x33: {  	p0 =	seq.s32 s10, $0x1;
	s10 =	sld [smem:$0x3FBA];
	_ =	sdelay $0x3  }
0x34: {  	[smem:$0x3FBA] =	sst s10  }
0x35: {  	s10 =	sld [smem:$0x3FB9];
	_ =	sdelay $0x3  }
0x36: {  	p1 =	seq.s32 s10, $0x1;
	s10 =	sld [smem:$0x3FBA];
	_ =	sdelay $0x3  }
0x37: {  	[smem:$0x3FBA] =	sst s10  }
0x38: {  	s10 =	sld [smem:$0x3FBB]  }
0x39: {  	_ = 	snop;
	(pc) =	sbr.ind lr, $3  }
0x3a: {  	_ = 	snop  }
0x3b: {  	_ = 	snop  }
0x3c: {  	p2 =	seq.s32 s10, $0x1;
	s10 =	sld [smem:$0x3FBA]  }
0x3d: {  	_ =	shalt  }
0x3e: {  	_ =	shalt  }
0x3f: {  	_ =	shalt  }
0x40: {  	_ =	shalt  }
0x41: {  	_ =	shalt  }
0x42: {  	_ =	shalt  }
0x43: {  	_ =	shalt  }
0x44: {  	_ =	shalt  }
0x45: {  	_ =	shalt  }
0x46: {  	_ =	shalt  }
0x47: {  	_ =	shalt  }
0x48: {  	_ =	shalt  }
0x49: {  	_ =	shalt  }
0x4a: {  	_ =	shalt  }
0x4b: {  	_ =	shalt  }
0x4c: {  	_ =	shalt  }
0x4d: {  	_ =	shalt  }
0x4e: {  	_ =	shalt  }
0x4f: {  	_ =	shalt  }
0x50: {  	_ =	shalt  }
0x51: {  	_ =	shalt  }
0x52: {  	_ =	shalt  }
0x53: {  	_ =	shalt  }
0x54: {  	_ =	shalt  }
0x55: {  	_ =	shalt  }
0x56: {  	_ =	shalt  }
0x57: {  	_ =	shalt  }
0x58: {  	_ =	shalt  }
0x59: {  	_ =	shalt  }
0x5a: {  	_ =	shalt  }
0x5b: {  	_ =	shalt  }
0x5c: {  	_ =	shalt  }
0x5d: {  	_ =	shalt  }
0x5e: {  	_ =	shalt  }
0x5f: {  	_ =	shalt  }
0x60: {  	_ =	shalt  }
0x61: {  	_ =	shalt  }
0x62: {  	_ =	shalt  }
0x63: {  	_ =	shalt  }
0x64: {  	_ =	shalt  }
0x65: {  	_ =	shalt  }
0x66: {  	_ =	shalt  }
0x67: {  	_ =	shalt  }
0x68: {  	_ =	shalt  }
0x69: {  	_ =	shalt  }
0x6a: {  	_ =	shalt  }
0x6b: {  	_ =	shalt  }
0x6c: {  	_ =	shalt  }
0x6d: {  	_ =	shalt  }
0x6e: {  	_ =	shalt  }
0x6f: {  	_ =	shalt  }
0x70: {  	_ =	shalt  }
0x71: {  	_ =	shalt  }
0x72: {  	_ =	shalt  }
0x73: {  	_ =	shalt  }
0x74: {  	_ =	shalt  }
0x75: {  	_ =	shalt  }
0x76: {  	_ =	shalt  }
0x77: {  	_ =	shalt  }
0x78: {  	_ =	shalt  }
0x79: {  	_ =	shalt  }
0x7a: {  	_ =	shalt  }
0x7b: {  	_ =	shalt  }
0x7c: {  	_ =	shalt  }
0x7d: {  	_ =	shalt  }
0x7e: {  	_ =	shalt  }
0x7f: {  	_ =	shalt  }
0x80: {  	_ =	shalt  }
0x81: {  	_ =	shalt  }
0x82: {  	_ =	shalt  }
0x83: {  	_ =	shalt  }
0x84: {  	_ =	shalt  }
0x85: {  	_ =	shalt  }
0x86: {  	_ =	shalt  }
0x87: {  	_ =	shalt  }
.Lfunc_end0:
.L_simem_size_0:
called_computation_lowered:
.L_overlay_start_0:
0x88: {  	s2 =	sld [smem:$0x3FD9]  }
0x89: {  	s3 =	sld [smem:$0x3FFE];
	_ =	sdelay $0x1  }
0x8a: {  	s1 =	srdreg.scid  }
0x8b: {  	s0 =	sand.u32 $0x1, s1  }
0x8c: {  	s17 =	sshll.u32 s0, $0xA;
	s2 =	sadd.s32 s3, s2  }
0x8d: {  	s2 =	sadd.s32 s2, s17  }
0x8e: {  	[smem:$0x3FC6] =	sst s2  }
0x8f: {  	_ = 	snop  }
0x90: {  	s2 =	sld [smem:$0x3FC9]  }
0x91: {  	s18 =	sld [smem:$0x3FD0];
	(tm) =	ssettm $0x1  }
0x92: {  	s4 =	sld [smem:$0x3FFB];
	_ =	sdelay $0x3  }
0x93: {  	_ =	strace s4  }
0x94: {  	s4 =	sld [smem:$0x3FFC];
	_ =	sdelay $0x3  }
0x95: {  	_ =	strace s4  }
0x96: {  	s4 =	sld [smem:$0x3FFD];
	_ =	sdelay $0x3  }
0x97: {  	_ =	strace s4  }
0x98: {  	_ =	strace $0x8FFFFFFF  }
0x99: {  	s19 =	sld [smem:$0x3FDB];
	_ =	sdelay $0x1  }
0x9a: {  	s5 =	simm.s32 $_scs_section_size  }
0x9b: {  	s6 =	simm.s32 $_size__tile_overlayer_lowered;
	s7 =	simm.s32 $_tile_overlayer_lowered  }
0x9c: {  	s22 =	simm.s32 $0x1BFF;
	s21 =	sshll.u32 s7, $0x1;
	s4 =	sadd.s32 s5, s19  }
0x9d: {  	s8 =	simm.s32 $0x0;
	s20 =	sshll.u32 s6, $0x1;
	s6 =	sadd.s32 s21, s4  }
0x9e: {  	[timem:s8], [sflag:s22] =	dma.local [hbm:s6], s20  }
0x9f: {  	_ =	swait.ge [sflag:s22], s20  }
0xa0: {  	s5 =	ssub.s32 $0x0, s20;
	[sflag:s22] =	ssyncset.done $0x0  }
0xa1: {  	[sflag:s22] =	ssyncadd.s32 s5;
	_ =	sdelay $0x1  }
0xa2: {  	s23 =	simm.s32 $0x1B8B  }
0xa3: {  	_ =	swait.ge [sflag:s23], $0x1  }
0xa4: {  	[sflag:s23] =	ssyncset.done $0x0  }
0xa5: {  	s25 =	simm.s32 $0x1B8E;
	s24 =	sld [smem:$0x3FFE];
	[sflag:s23] =	ssyncadd.s32 $0xFFFFFFFF  }
0xa6: {  	s26 =	simm.s32 $execute0_lowered;
	[smem:$0x3FD2] =	sst s25  }
0xa7: {  	s6 =	sshll.u32 s26, $0x1;
	_ =	strace $0x80000046;
	[dreg:$0x1] =	wrdreg $0xFFFFFFFF  }
0xa8: {  	s28 =	simm.s32 $_size_execute0_lowered;
	s4 =	sadd.s32 s4, s6;
	[dreg:$0x0] =	wrdreg $0x0  }
0xa9: {  	s6 =	sshll.u32 s28, $0x1;
	[dreg:$0x2] =	wrdreg s4  }
0xaa: {  	[dreg:$0x3] =	wrdreg s6  }
0xab: {  	[dreg:$0x4] =	wrdreg $0xC0  }
0xac: {  	_ =	task [dreg:s8], $0x5FFFF  }
0xad: {  	[dreg:$0x1] =	wrdreg $0xFFFFFFFF  }
0xae: {  	[dreg:$0x0] =	wrdreg $0x60  }
0xaf: {  	[dreg:$0x2] =	wrdreg s2  }
0xb0: {  	[dreg:$0x3] =	wrdreg s18  }
0xb1: {  	[dreg:$0x4] =	wrdreg s24  }
0xb2: {  	[dreg:$0x5] =	wrdreg $0x9  }
0xb3: {  	_ =	task.clear_ibuf [dreg:s8], $0x6FFFF;
	_ =	strace $0x90000046  }
0xb4: {  	s29 =	simm.s32 $0x9;
	_ =	strace $0x80000048  }
0xb5: {  	_ =	swait.ge [sflag:s29], $0x1  }
0xb6: {  	[sflag:s29] =	ssyncadd.s32 $0xFFFFFFFF  }
0xb7: {  	_ =	strace $0x90000048  }
0xb8: {  	_ =	sfence  }
0xb9: {  	s30 =	sld [smem:$0x0];
	_ =	sdelay $0x2  }
0xba: {  	s31 =	sshll.u32 s1, $0xD;
	s1 =	sshrl.u32 s1, $0x2  }
0xbb: {  	s3 =	sand.u32 $0x4000, s31;
	s1 =	sadd.s32 s1, s30  }
0xbc: {  	s0 =	sor.u32 s3, s0;
	s1 =	sshll.u32 s1, $0x11  }
0xbd: {  	s0 =	sor.u32 s1, s0  }
0xbe: {  	s0 =	sadd.s32 $0x8F2B, s0  }
0xbf: {  	[sflag:s0] =	ssyncadd.remote.s32 $0x1  }
0xc0: {  	_ =	sfence.sel $0xFFFF  }
0xc1: {  	[dreg:$0x0] =	wrdreg $0xFFFFFFFF;
	(pc) =	sbr.abs _section_cstart, $3  }
0xc2: {  	[dreg:$0x1] =	wrdreg $0xFFFFFFFF  }
0xc3: {  	_ =	task.clear_ibuf [dreg:s8], $0x2FFFF;
	_ =	strace $0x9FFFFFFF  }
0xc4: {  	(tm) =	ssettm $0x7FFFFFFF  }
0xc5: {  	_ =	shalt  }
tec
execute0_lowered:
.L_overlay_start_1:
0x0: {  	(tag) =	ssettag $0x1  }
0x1: {  	s1 =	rddreg [dreg:$0x0]  }
0x2: {  	s6 =	rddreg [dreg:$0x1];
	s2 =	srdreg.scid  }
0x3: {  	s0 =	stileid.u32;
	s5 =	rddreg [dreg:$0x2]  }
0x4: {  	s3 =	simm.s32 $0x0;
	s10 =	simm.s32 $0x10100;
	s11 =	simm.s32 $0x1  }
0x5: {  	s12 =	simm.s32 $0x0;
	s7 =	sand.u32 $0x1, s2;
	s2 =	rddreg [dreg:$0x3]  }
.Ltmp0:
0x6: {  	s4 =	sshll.u32 s0, $0x1;
	[smem:$0x7FF] =	sst s3;
	(pc) =	sbr.rel .LBB2_1-.Ltmp0, $4  }
0x7: {  	s5 =	sadd.s32 $0x400, s5;
	s4 =	sor.u32 s7, s4;
	s7 =	ssub.s32 $0x2, s7  }
0x8: {  	_ =	strace $0x80000047;
	s8 =	sshll.u32 s4, $0x5;
	s9 =	sshrl.u32 s7, $0x1  }
0x9: {  	s8 =	sand.u32 $0x60, s8;
	s7 =	ssub.s32 s7, s9;
	s9 =	simm.s32 $0x10000  }
0xa: {  	s6 =	sadd.s32 s6, s8;
	s7 =	smax.u32 s7, $0x1;
	s8 =	simm.s32 $0x2  }
.LBB2_7:
0xb: {  	s12 =	sadd.s32 $0x1, s12  }
0xc: {  	p0 =	sne.s32 s12, s7  }
.Ltmp1:
0xd: {  	_ = 	snop;
	(pc) =	sbr.rel @!p0 .LBB2_8-.Ltmp1, $1  }
0xe: {  	_ =	sdelay $0x3  }
.LBB2_1:
.Ltmp2:
0xf: {  	(pc) =	sbr.rel .LBB2_2-.Ltmp2, $2  }
0x10: {  	_ =	sdelay $0x2  }
0x11: {  	s13 =	simm.s32 $0x0  }
.LBB2_6:
0x12: {  	s13 =	sadd.s32 $0x1, s13  }
0x13: {  	p0 =	sne.s32 s13, $0x20  }
.Ltmp3:
0x14: {  	_ = 	snop;
	(pc) =	sbr.rel @!p0 .LBB2_7-.Ltmp3, $1  }
0x15: {  	_ =	sdelay $0x3  }
.LBB2_2:
0x16: {  	s14 =	sshll.u32 s13, $0x5  }
0x17: {  	s14 =	sor.u32 s4, s14  }
0x18: {  	p0 =	sgt.u32 s14, $0x3E7  }
.Ltmp4:
0x19: {  	_ = 	snop;
	(pc) =	sbr.rel @p0 .LBB2_6-.Ltmp4, $1  }
0x1a: {  	_ =	sdelay $0x3  }
0x1b: {  	s15 =	sshll.u32 s14, $0xD  }
0x1c: {  	s16 =	simm.s32 $0x0;
	s15 =	sadd.s32 s1, s15  }
0x1d: {  	[tilespmem:s16], [sflag:$0x2] =	stream.linear.gather [hbm4b:s15+s16], $0x10000, $0x38;
	[tilespmem:$0x11100] =	vst v63  }
0x1e: {  	s30 =	sshll.u32 s14, $0x5;
	_ =	swait.ge [sflag:s8], $0x10000  }
0x1f: {  	s15 =	sand.u32 $0x7F80, s30;
	[sflag:s8] =	ssyncset.done $0x0  }
0x20: {  	s15 =	sadd.s32 s15, s6;
	[sflag:s8] =	ssyncadd.s32 $0xFFFF0000  }
0x21: {  	[tilespmem:s9], [sflag:$0x2] =	stream.linear.gather [hbm4b:s15+s16], $0x100, $0x38;
	[tilespmem:$0x11100] =	vst v63  }
0x22: {  	_ =	swait.ge [sflag:s8], $0x100  }
0x23: {  	[sflag:s8] =	ssyncset.done $0x0  }
0x24: {  	[sflag:s8] =	ssyncadd.s32 $0xFFFFFF00  }
0x25: {  	s31 =	simm.s32 $0x0;
	v4 =	vld [tilespmem:$0x10000]  }
0x26: {  	v1 =	vld [tilespmem:s31+$0x0]  }
0x27: {  	v5 =	vld [tilespmem:$0x10010]  }
0x28: {  	v3 =	vld [tilespmem:s31+$0x80]  }
0x29: {  	v2 =	vld [tilespmem:$0x10020]  }
0x2a: {  	v6 =	vld [tilespmem:s31+$0x100]  }
0x2b: {  	v0 =	vld [tilespmem:$0x10030];
	v7 =	vmul.f32 v1, v4  }
0x2c: {  	v8 =	vld [tilespmem:s31+$0x180]  }
0x2d: {  	v10 =	vld [tilespmem:s31+$0x200];
	v9 =	vmul.f32 v3, v5;
	v7 =	vadd.f32 $0.0e+00, v7  }
0x2e: {  	v1 =	vld [tilespmem:$0x10040]  }
0x2f: {  	v11 =	vld [tilespmem:s31+$0x280];
	v7 =	vadd.f32 v9, v7;
	v9 =	vmul.f32 v6, v2  }
0x30: {  	v3 =	vld [tilespmem:$0x10050]  }
0x31: {  	v12 =	vld [tilespmem:s31+$0x300];
	v8 =	vmul.f32 v8, v0;
	v9 =	vadd.f32 v9, v7  }
0x32: {  	v6 =	vld [tilespmem:$0x10060]  }
0x33: {  	v13 =	vld [tilespmem:s31+$0x380];
	v10 =	vmul.f32 v10, v1;
	v9 =	vadd.f32 v8, v9  }
0x34: {  	v7 =	vld [tilespmem:$0x10070]  }
0x35: {  	v14 =	vld [tilespmem:s31+$0x8000];
	v11 =	vmul.f32 v11, v3;
	v10 =	vadd.f32 v10, v9  }
0x36: {  	v8 =	vld [tilespmem:$0x10080]  }
0x37: {  	v15 =	vld [tilespmem:s31+$0x8080];
	v12 =	vmul.f32 v12, v6;
	v11 =	vadd.f32 v11, v10  }
0x38: {  	v9 =	vld [tilespmem:$0x10090]  }
0x39: {  	v16 =	vld [tilespmem:s31+$0x8100];
	v13 =	vmul.f32 v13, v7;
	v12 =	vadd.f32 v12, v11  }
0x3a: {  	v10 =	vld [tilespmem:$0x100A0]  }
0x3b: {  	v17 =	vld [tilespmem:s31+$0x8180];
	v14 =	vmul.f32 v14, v8;
	v13 =	vadd.f32 v13, v12  }
0x3c: {  	v11 =	vld [tilespmem:$0x100B0]  }
0x3d: {  	v18 =	vld [tilespmem:s31+$0x8200];
	v15 =	vmul.f32 v15, v9;
	v14 =	vadd.f32 v14, v13  }
0x3e: {  	v12 =	vld [tilespmem:$0x100C0]  }
0x3f: {  	v19 =	vld [tilespmem:s31+$0x8280];
	v16 =	vmul.f32 v16, v10;
	v15 =	vadd.f32 v15, v14  }
0x40: {  	v13 =	vld [tilespmem:$0x100D0]  }
0x41: {  	v20 =	vld [tilespmem:s31+$0x8300];
	v17 =	vmul.f32 v17, v11;
	v16 =	vadd.f32 v16, v15  }
0x42: {  	v14 =	vld [tilespmem:$0x100E0]  }
0x43: {  	v15 =	vld [tilespmem:$0x100F0];
	v16 =	vadd.f32 v17, v16;
	v17 =	vmul.f32 v18, v12  }
0x44: {  	v18 =	vld [tilespmem:s31+$0x8380]  }
0x45: {  	v16 =	vadd.f32 v17, v16;
	v17 =	vmul.f32 v19, v13;
	_ =	sdelay $0x1  }
0x46: {  	v16 =	vadd.f32 v17, v16;
	v17 =	vmul.f32 v20, v14;
	_ =	sdelay $0x1  }
0x47: {  	v16 =	vadd.f32 v17, v16;
	v17 =	vmul.f32 v18, v15;
	_ =	sdelay $0x1  }
0x48: {  	v16 =	vadd.f32 v17, v16  }
0x49: {  	s15 =	simm.s32 $0x10140  }
0x4a: {  	[tilespmem:s15+$0xFFFFFFC0] =	vst v16  }
0x4b: {  	v16 =	vld [tilespmem:s31+$0x10];
	_ =	sdelay $0x1  }
0x4c: {  	v17 =	vld [tilespmem:s31+$0x90];
	_ =	sdelay $0x1  }
0x4d: {  	v18 =	vld [tilespmem:s31+$0x110]  }
0x4e: {  	v16 =	vmul.f32 v16, v4  }
0x4f: {  	v19 =	vld [tilespmem:s31+$0x190]  }
0x50: {  	v17 =	vmul.f32 v17, v5;
	v16 =	vadd.f32 $0.0e+00, v16  }
0x51: {  	v36 =	vld [tilespmem:s31+$0x210]  }
0x52: {  	v16 =	vadd.f32 v17, v16;
	v17 =	vmul.f32 v18, v2  }
0x53: {  	v18 =	vld [tilespmem:s31+$0x290]  }
0x54: {  	v16 =	vadd.f32 v17, v16;
	v17 =	vmul.f32 v19, v0  }
0x55: {  	v19 =	vld [tilespmem:s31+$0x310]  }
0x56: {  	v16 =	vadd.f32 v17, v16;
	v17 =	vmul.f32 v36, v1  }
0x57: {  	v37 =	vld [tilespmem:s31+$0x390]  }
0x58: {  	v16 =	vadd.f32 v17, v16;
	v17 =	vmul.f32 v18, v3  }
0x59: {  	v18 =	vld [tilespmem:s31+$0x8010]  }
0x5a: {  	v16 =	vadd.f32 v17, v16;
	v17 =	vmul.f32 v19, v6  }
0x5b: {  	v19 =	vld [tilespmem:s31+$0x8090]  }
0x5c: {  	v16 =	vadd.f32 v17, v16;
	v17 =	vmul.f32 v37, v7  }
0x5d: {  	v38 =	vld [tilespmem:s31+$0x8110]  }
0x5e: {  	v16 =	vadd.f32 v17, v16;
	v17 =	vmul.f32 v18, v8  }
0x5f: {  	v18 =	vld [tilespmem:s31+$0x8190]  }
0x60: {  	v16 =	vadd.f32 v17, v16;
	v17 =	vmul.f32 v19, v9  }
0x61: {  	v19 =	vld [tilespmem:s31+$0x8210]  }
0x62: {  	v16 =	vadd.f32 v17, v16;
	v17 =	vmul.f32 v38, v10  }
0x63: {  	v39 =	vld [tilespmem:s31+$0x8290]  }
0x64: {  	v16 =	vadd.f32 v17, v16;
	v17 =	vmul.f32 v18, v11  }
0x65: {  	v18 =	vld [tilespmem:s31+$0x8310]  }
0x66: {  	v16 =	vadd.f32 v17, v16;
	v17 =	vmul.f32 v19, v12  }
0x67: {  	v19 =	vld [tilespmem:s31+$0x8390]  }
0x68: {  	v16 =	vadd.f32 v17, v16;
	v17 =	vmul.f32 v39, v13;
	_ =	sdelay $0x1  }
0x69: {  	v16 =	vadd.f32 v17, v16;
	v17 =	vmul.f32 v18, v14;
	_ =	sdelay $0x1  }
0x6a: {  	v16 =	vadd.f32 v17, v16;
	v17 =	vmul.f32 v19, v15;
	_ =	sdelay $0x1  }
0x6b: {  	v16 =	vadd.f32 v17, v16;
	_ =	sdelay $0x1  }
0x6c: {  	[tilespmem:s15+$0xFFFFFFD0] =	vst v16  }
0x6d: {  	v16 =	vld [tilespmem:s31+$0x20];
	_ =	sdelay $0x1  }
0x6e: {  	v17 =	vld [tilespmem:s31+$0xA0];
	_ =	sdelay $0x1  }
0x6f: {  	v18 =	vld [tilespmem:s31+$0x120]  }
0x70: {  	v16 =	vmul.f32 v16, v4  }
0x71: {  	v19 =	vld [tilespmem:s31+$0x1A0]  }
0x72: {  	v17 =	vmul.f32 v17, v5;
	v16 =	vadd.f32 $0.0e+00, v16  }
0x73: {  	v40 =	vld [tilespmem:s31+$0x220]  }
0x74: {  	v16 =	vadd.f32 v17, v16;
	v17 =	vmul.f32 v18, v2  }
0x75: {  	v18 =	vld [tilespmem:s31+$0x2A0]  }
0x76: {  	v16 =	vadd.f32 v17, v16;
	v17 =	vmul.f32 v19, v0  }
0x77: {  	v19 =	vld [tilespmem:s31+$0x320]  }
0x78: {  	v16 =	vadd.f32 v17, v16;
	v17 =	vmul.f32 v40, v1  }
0x79: {  	v41 =	vld [tilespmem:s31+$0x3A0]  }
0x7a: {  	v16 =	vadd.f32 v17, v16;
	v17 =	vmul.f32 v18, v3  }
0x7b: {  	v18 =	vld [tilespmem:s31+$0x8020]  }
0x7c: {  	v16 =	vadd.f32 v17, v16;
	v17 =	vmul.f32 v19, v6  }
0x7d: {  	v19 =	vld [tilespmem:s31+$0x80A0]  }
0x7e: {  	v16 =	vadd.f32 v17, v16;
	v17 =	vmul.f32 v41, v7  }
0x7f: {  	v42 =	vld [tilespmem:s31+$0x8120]  }
0x80: {  	v16 =	vadd.f32 v17, v16;
	v17 =	vmul.f32 v18, v8  }
0x81: {  	v18 =	vld [tilespmem:s31+$0x81A0]  }
0x82: {  	v16 =	vadd.f32 v17, v16;
	v17 =	vmul.f32 v19, v9  }
0x83: {  	v19 =	vld [tilespmem:s31+$0x8220]  }
0x84: {  	v16 =	vadd.f32 v17, v16;
	v17 =	vmul.f32 v42, v10  }
0x85: {  	v43 =	vld [tilespmem:s31+$0x82A0]  }
0x86: {  	v16 =	vadd.f32 v17, v16;
	v17 =	vmul.f32 v18, v11  }
0x87: {  	v18 =	vld [tilespmem:s31+$0x8320]  }
0x88: {  	v16 =	vadd.f32 v17, v16;
	v17 =	vmul.f32 v19, v12  }
0x89: {  	v19 =	vld [tilespmem:s31+$0x83A0]  }
0x8a: {  	v16 =	vadd.f32 v17, v16;
	v17 =	vmul.f32 v43, v13;
	_ =	sdelay $0x1  }
0x8b: {  	v16 =	vadd.f32 v17, v16;
	v17 =	vmul.f32 v18, v14;
	_ =	sdelay $0x1  }
0x8c: {  	v16 =	vadd.f32 v17, v16;
	v17 =	vmul.f32 v19, v15;
	_ =	sdelay $0x1  }
0x8d: {  	v16 =	vadd.f32 v17, v16;
	_ =	sdelay $0x1  }
0x8e: {  	[tilespmem:s15+$0xFFFFFFE0] =	vst v16  }
0x8f: {  	v16 =	vld [tilespmem:s31+$0x30];
	_ =	sdelay $0x1  }
0x90: {  	v17 =	vld [tilespmem:s31+$0xB0];
	_ =	sdelay $0x1  }
0x91: {  	v18 =	vld [tilespmem:s31+$0x130]  }
0x92: {  	v16 =	vmul.f32 v16, v4  }
0x93: {  	v19 =	vld [tilespmem:s31+$0x1B0]  }
0x94: {  	v17 =	vmul.f32 v17, v5;
	v16 =	vadd.f32 $0.0e+00, v16  }
0x95: {  	v44 =	vld [tilespmem:s31+$0x230]  }
0x96: {  	v16 =	vadd.f32 v17, v16;
	v17 =	vmul.f32 v18, v2  }
0x97: {  	v18 =	vld [tilespmem:s31+$0x2B0]  }
0x98: {  	v16 =	vadd.f32 v17, v16;
	v17 =	vmul.f32 v19, v0  }
0x99: {  	v19 =	vld [tilespmem:s31+$0x330]  }
0x9a: {  	v16 =	vadd.f32 v17, v16;
	v17 =	vmul.f32 v44, v1  }
0x9b: {  	v45 =	vld [tilespmem:s31+$0x3B0]  }
0x9c: {  	v16 =	vadd.f32 v17, v16;
	v17 =	vmul.f32 v18, v3  }
0x9d: {  	v18 =	vld [tilespmem:s31+$0x8030]  }
0x9e: {  	v16 =	vadd.f32 v17, v16;
	v17 =	vmul.f32 v19, v6  }
0x9f: {  	v19 =	vld [tilespmem:s31+$0x80B0]  }
0xa0: {  	v16 =	vadd.f32 v17, v16;
	v17 =	vmul.f32 v45, v7  }
0xa1: {  	v46 =	vld [tilespmem:s31+$0x8130]  }
0xa2: {  	v16 =	vadd.f32 v17, v16;
	v17 =	vmul.f32 v18, v8  }
0xa3: {  	v18 =	vld [tilespmem:s31+$0x81B0]  }
0xa4: {  	v16 =	vadd.f32 v17, v16;
	v17 =	vmul.f32 v19, v9  }
0xa5: {  	v19 =	vld [tilespmem:s31+$0x8230]  }
0xa6: {  	v16 =	vadd.f32 v17, v16;
	v17 =	vmul.f32 v46, v10  }
0xa7: {  	v47 =	vld [tilespmem:s31+$0x82B0]  }
0xa8: {  	v16 =	vadd.f32 v17, v16;
	v17 =	vmul.f32 v18, v11  }
0xa9: {  	v18 =	vld [tilespmem:s31+$0x8330]  }
0xaa: {  	v16 =	vadd.f32 v17, v16;
	v17 =	vmul.f32 v19, v12  }
0xab: {  	v19 =	vld [tilespmem:s31+$0x83B0]  }
0xac: {  	v16 =	vadd.f32 v17, v16;
	v17 =	vmul.f32 v47, v13;
	_ =	sdelay $0x1  }
0xad: {  	v16 =	vadd.f32 v17, v16;
	v17 =	vmul.f32 v18, v14;
	_ =	sdelay $0x1  }
0xae: {  	v16 =	vadd.f32 v17, v16;
	v17 =	vmul.f32 v19, v15;
	_ =	sdelay $0x1  }
0xaf: {  	v16 =	vadd.f32 v17, v16;
	_ =	sdelay $0x1  }
0xb0: {  	[tilespmem:s15+$0xFFFFFFF0] =	vst v16  }
0xb1: {  	v16 =	vld [tilespmem:s31+$0x40];
	_ =	sdelay $0x1  }
0xb2: {  	v17 =	vld [tilespmem:s31+$0xC0];
	_ =	sdelay $0x1  }
0xb3: {  	v18 =	vld [tilespmem:s31+$0x140]  }
0xb4: {  	v16 =	vmul.f32 v16, v4  }
0xb5: {  	v19 =	vld [tilespmem:s31+$0x1C0]  }
0xb6: {  	v17 =	vmul.f32 v17, v5;
	v16 =	vadd.f32 $0.0e+00, v16  }
0xb7: {  	v48 =	vld [tilespmem:s31+$0x240]  }
0xb8: {  	v16 =	vadd.f32 v17, v16;
	v17 =	vmul.f32 v18, v2  }
0xb9: {  	v18 =	vld [tilespmem:s31+$0x2C0]  }
0xba: {  	v16 =	vadd.f32 v17, v16;
	v17 =	vmul.f32 v19, v0  }
0xbb: {  	v19 =	vld [tilespmem:s31+$0x340]  }
0xbc: {  	v16 =	vadd.f32 v17, v16;
	v17 =	vmul.f32 v48, v1  }
0xbd: {  	v49 =	vld [tilespmem:s31+$0x3C0]  }
0xbe: {  	v16 =	vadd.f32 v17, v16;
	v17 =	vmul.f32 v18, v3  }
0xbf: {  	v18 =	vld [tilespmem:s31+$0x8040]  }
0xc0: {  	v16 =	vadd.f32 v17, v16;
	v17 =	vmul.f32 v19, v6  }
0xc1: {  	v19 =	vld [tilespmem:s31+$0x80C0]  }
0xc2: {  	v16 =	vadd.f32 v17, v16;
	v17 =	vmul.f32 v49, v7  }
0xc3: {  	v50 =	vld [tilespmem:s31+$0x8140]  }
0xc4: {  	v16 =	vadd.f32 v17, v16;
	v17 =	vmul.f32 v18, v8  }
0xc5: {  	v18 =	vld [tilespmem:s31+$0x81C0]  }
0xc6: {  	v16 =	vadd.f32 v17, v16;
	v17 =	vmul.f32 v19, v9  }
0xc7: {  	v19 =	vld [tilespmem:s31+$0x8240]  }
0xc8: {  	v16 =	vadd.f32 v17, v16;
	v17 =	vmul.f32 v50, v10  }
0xc9: {  	v51 =	vld [tilespmem:s31+$0x82C0]  }
0xca: {  	v16 =	vadd.f32 v17, v16;
	v17 =	vmul.f32 v18, v11  }
0xcb: {  	v18 =	vld [tilespmem:s31+$0x8340]  }
0xcc: {  	v16 =	vadd.f32 v17, v16;
	v17 =	vmul.f32 v19, v12  }
0xcd: {  	v19 =	vld [tilespmem:s31+$0x83C0]  }
0xce: {  	v16 =	vadd.f32 v17, v16;
	v17 =	vmul.f32 v51, v13;
	_ =	sdelay $0x1  }
0xcf: {  	v16 =	vadd.f32 v17, v16;
	v17 =	vmul.f32 v18, v14;
	_ =	sdelay $0x1  }
0xd0: {  	v16 =	vadd.f32 v17, v16;
	v17 =	vmul.f32 v19, v15;
	_ =	sdelay $0x1  }
0xd1: {  	v16 =	vadd.f32 v17, v16;
	_ =	sdelay $0x1  }
0xd2: {  	[tilespmem:s15+$0x0] =	vst v16  }
0xd3: {  	v16 =	vld [tilespmem:s31+$0x50];
	_ =	sdelay $0x1  }
0xd4: {  	v17 =	vld [tilespmem:s31+$0xD0];
	_ =	sdelay $0x1  }
0xd5: {  	v18 =	vld [tilespmem:s31+$0x150]  }
0xd6: {  	v16 =	vmul.f32 v16, v4  }
0xd7: {  	v19 =	vld [tilespmem:s31+$0x1D0]  }
0xd8: {  	v17 =	vmul.f32 v17, v5;
	v16 =	vadd.f32 $0.0e+00, v16  }
0xd9: {  	v52 =	vld [tilespmem:s31+$0x250]  }
0xda: {  	v16 =	vadd.f32 v17, v16;
	v17 =	vmul.f32 v18, v2  }
0xdb: {  	v18 =	vld [tilespmem:s31+$0x2D0]  }
0xdc: {  	v16 =	vadd.f32 v17, v16;
	v17 =	vmul.f32 v19, v0  }
0xdd: {  	v19 =	vld [tilespmem:s31+$0x350]  }
0xde: {  	v16 =	vadd.f32 v17, v16;
	v17 =	vmul.f32 v52, v1  }
0xdf: {  	v53 =	vld [tilespmem:s31+$0x3D0]  }
0xe0: {  	v16 =	vadd.f32 v17, v16;
	v17 =	vmul.f32 v18, v3  }
0xe1: {  	v18 =	vld [tilespmem:s31+$0x8050]  }
0xe2: {  	v16 =	vadd.f32 v17, v16;
	v17 =	vmul.f32 v19, v6  }
0xe3: {  	v19 =	vld [tilespmem:s31+$0x80D0]  }
0xe4: {  	v16 =	vadd.f32 v17, v16;
	v17 =	vmul.f32 v53, v7  }
0xe5: {  	v54 =	vld [tilespmem:s31+$0x8150]  }
0xe6: {  	v16 =	vadd.f32 v17, v16;
	v17 =	vmul.f32 v18, v8  }
0xe7: {  	v18 =	vld [tilespmem:s31+$0x81D0]  }
0xe8: {  	v16 =	vadd.f32 v17, v16;
	v17 =	vmul.f32 v19, v9  }
0xe9: {  	v19 =	vld [tilespmem:s31+$0x8250]  }
0xea: {  	v16 =	vadd.f32 v17, v16;
	v17 =	vmul.f32 v54, v10  }
0xeb: {  	v55 =	vld [tilespmem:s31+$0x82D0]  }
0xec: {  	v16 =	vadd.f32 v17, v16;
	v17 =	vmul.f32 v18, v11  }
0xed: {  	v18 =	vld [tilespmem:s31+$0x8350]  }
0xee: {  	v16 =	vadd.f32 v17, v16;
	v17 =	vmul.f32 v19, v12  }
0xef: {  	v19 =	vld [tilespmem:s31+$0x83D0]  }
0xf0: {  	v16 =	vadd.f32 v17, v16;
	v17 =	vmul.f32 v55, v13;
	_ =	sdelay $0x1  }
0xf1: {  	v16 =	vadd.f32 v17, v16;
	v17 =	vmul.f32 v18, v14;
	_ =	sdelay $0x1  }
0xf2: {  	v16 =	vadd.f32 v17, v16;
	v17 =	vmul.f32 v19, v15;
	_ =	sdelay $0x1  }
0xf3: {  	v16 =	vadd.f32 v17, v16;
	_ =	sdelay $0x1  }
0xf4: {  	[tilespmem:s15+$0x10] =	vst v16  }
0xf5: {  	v16 =	vld [tilespmem:s31+$0x60];
	_ =	sdelay $0x1  }
0xf6: {  	v17 =	vld [tilespmem:s31+$0xE0];
	_ =	sdelay $0x1  }
0xf7: {  	v18 =	vld [tilespmem:s31+$0x160]  }
0xf8: {  	v16 =	vmul.f32 v16, v4  }
0xf9: {  	v19 =	vld [tilespmem:s31+$0x1E0]  }
0xfa: {  	v17 =	vmul.f32 v17, v5;
	v16 =	vadd.f32 $0.0e+00, v16  }
0xfb: {  	v56 =	vld [tilespmem:s31+$0x260]  }
0xfc: {  	v16 =	vadd.f32 v17, v16;
	v17 =	vmul.f32 v18, v2  }
0xfd: {  	v18 =	vld [tilespmem:s31+$0x2E0]  }
0xfe: {  	v16 =	vadd.f32 v17, v16;
	v17 =	vmul.f32 v19, v0  }
0xff: {  	v19 =	vld [tilespmem:s31+$0x360]  }
0x100: {  	v16 =	vadd.f32 v17, v16;
	v17 =	vmul.f32 v56, v1  }
0x101: {  	v57 =	vld [tilespmem:s31+$0x3E0]  }
0x102: {  	v16 =	vadd.f32 v17, v16;
	v17 =	vmul.f32 v18, v3  }
0x103: {  	v18 =	vld [tilespmem:s31+$0x8060]  }
0x104: {  	v16 =	vadd.f32 v17, v16;
	v17 =	vmul.f32 v19, v6  }
0x105: {  	v19 =	vld [tilespmem:s31+$0x80E0]  }
0x106: {  	v16 =	vadd.f32 v17, v16;
	v17 =	vmul.f32 v57, v7  }
0x107: {  	v58 =	vld [tilespmem:s31+$0x8160]  }
0x108: {  	v16 =	vadd.f32 v17, v16;
	v17 =	vmul.f32 v18, v8  }
0x109: {  	v18 =	vld [tilespmem:s31+$0x81E0]  }
0x10a: {  	v16 =	vadd.f32 v17, v16;
	v17 =	vmul.f32 v19, v9  }
0x10b: {  	v19 =	vld [tilespmem:s31+$0x8260]  }
0x10c: {  	v16 =	vadd.f32 v17, v16;
	v17 =	vmul.f32 v58, v10  }
0x10d: {  	v59 =	vld [tilespmem:s31+$0x82E0]  }
0x10e: {  	v16 =	vadd.f32 v17, v16;
	v17 =	vmul.f32 v18, v11  }
0x10f: {  	v18 =	vld [tilespmem:s31+$0x8360]  }
0x110: {  	v16 =	vadd.f32 v17, v16;
	v17 =	vmul.f32 v19, v12  }
0x111: {  	v19 =	vld [tilespmem:s31+$0x83E0]  }
0x112: {  	v16 =	vadd.f32 v17, v16;
	v17 =	vmul.f32 v59, v13;
	_ =	sdelay $0x1  }
0x113: {  	v16 =	vadd.f32 v17, v16;
	v17 =	vmul.f32 v18, v14;
	_ =	sdelay $0x1  }
0x114: {  	v16 =	vadd.f32 v17, v16;
	v17 =	vmul.f32 v19, v15;
	_ =	sdelay $0x1  }
0x115: {  	v16 =	vadd.f32 v17, v16;
	_ =	sdelay $0x1  }
0x116: {  	[tilespmem:s15+$0x20] =	vst v16  }
0x117: {  	v16 =	vld [tilespmem:s31+$0x70];
	_ =	sdelay $0x1  }
0x118: {  	v17 =	vld [tilespmem:s31+$0xF0];
	_ =	sdelay $0x1  }
0x119: {  	v18 =	vld [tilespmem:s31+$0x170]  }
0x11a: {  	v16 =	vmul.f32 v16, v4  }
0x11b: {  	v19 =	vld [tilespmem:s31+$0x1F0]  }
0x11c: {  	v17 =	vmul.f32 v17, v5;
	v16 =	vadd.f32 $0.0e+00, v16  }
0x11d: {  	v60 =	vld [tilespmem:s31+$0x270]  }
0x11e: {  	v16 =	vadd.f32 v17, v16;
	v17 =	vmul.f32 v18, v2  }
0x11f: {  	v18 =	vld [tilespmem:s31+$0x2F0]  }
0x120: {  	v16 =	vadd.f32 v17, v16;
	v17 =	vmul.f32 v19, v0  }
0x121: {  	v19 =	vld [tilespmem:s31+$0x370]  }
0x122: {  	v16 =	vadd.f32 v17, v16;
	v17 =	vmul.f32 v60, v1  }
0x123: {  	v61 =	vld [tilespmem:s31+$0x3F0]  }
0x124: {  	v16 =	vadd.f32 v17, v16;
	v17 =	vmul.f32 v18, v3  }
0x125: {  	v18 =	vld [tilespmem:s31+$0x8070]  }
0x126: {  	v16 =	vadd.f32 v17, v16;
	v17 =	vmul.f32 v19, v6  }
0x127: {  	v19 =	vld [tilespmem:s31+$0x80F0]  }
0x128: {  	v16 =	vadd.f32 v17, v16;
	v17 =	vmul.f32 v61, v7  }
0x129: {  	v62 =	vld [tilespmem:s31+$0x8170]  }
0x12a: {  	v16 =	vadd.f32 v17, v16;
	v17 =	vmul.f32 v18, v8  }
0x12b: {  	v18 =	vld [tilespmem:s31+$0x81F0]  }
0x12c: {  	v16 =	vadd.f32 v17, v16;
	v17 =	vmul.f32 v19, v9  }
0x12d: {  	v19 =	vld [tilespmem:s31+$0x8270]  }
0x12e: {  	v16 =	vadd.f32 v17, v16;
	v17 =	vmul.f32 v62, v10  }
0x12f: {  	v63 =	vld [tilespmem:s31+$0x82F0]  }
0x130: {  	v16 =	vadd.f32 v17, v16;
	v17 =	vmul.f32 v18, v11  }
0x131: {  	v18 =	vld [tilespmem:s31+$0x8370]  }
0x132: {  	v16 =	vadd.f32 v17, v16;
	v17 =	vmul.f32 v19, v12  }
0x133: {  	v19 =	vld [tilespmem:s31+$0x83F0]  }
0x134: {  	v16 =	vadd.f32 v17, v16;
	v17 =	vmul.f32 v63, v13;
	_ =	sdelay $0x1  }
0x135: {  	v16 =	vadd.f32 v17, v16;
	v17 =	vmul.f32 v18, v14;
	_ =	sdelay $0x1  }
0x136: {  	v16 =	vadd.f32 v17, v16;
	v17 =	vmul.f32 v19, v15;
	_ =	sdelay $0x1  }
0x137: {  	s19 =	simm.s32 $0x2000;
	s16 =	simm.s32 $0x1000;
	v16 =	vadd.f32 v17, v16  }
.LBB2_4:
0x138: {  	s18 =	sshra.s32 s16, $0x2  }
0x139: {  	s16 =	smov.u32 s19;
	s17 =	sadd.s32 $0x1000, s19;
	[tilespmem:s15+$0x30] =	vst v16;
	s15 =	sadd.s32 $0x80, s15  }
0x13a: {  	p0 =	sne.s32 s19, $0x1F000;
	v16 =	vld [tilespmem:s18+$0x0];
	_ =	sdelay $0x1  }
0x13b: {  	v17 =	vld [tilespmem:s18+$0x80];
	_ =	sdelay $0x1  }
0x13c: {  	v18 =	vld [tilespmem:s18+$0x100]  }
0x13d: {  	v16 =	vmul.f32 v16, v4  }
0x13e: {  	v19 =	vld [tilespmem:s18+$0x180]  }
0x13f: {  	v16 =	vadd.f32 $0.0e+00, v16;
	v17 =	vmul.f32 v17, v5  }
0x140: {  	v20 =	vld [tilespmem:s18+$0x200]  }
0x141: {  	v16 =	vadd.f32 v17, v16;
	v17 =	vmul.f32 v18, v2  }
0x142: {  	v18 =	vld [tilespmem:s18+$0x280]  }
0x143: {  	v16 =	vadd.f32 v17, v16;
	v17 =	vmul.f32 v19, v0  }
0x144: {  	v19 =	vld [tilespmem:s18+$0x300]  }
0x145: {  	v16 =	vadd.f32 v17, v16;
	v17 =	vmul.f32 v20, v1  }
0x146: {  	v20 =	vld [tilespmem:s18+$0x380]  }
0x147: {  	v16 =	vadd.f32 v17, v16;
	v17 =	vmul.f32 v18, v3  }
0x148: {  	v18 =	vld [tilespmem:s18+$0x8000]  }
0x149: {  	v16 =	vadd.f32 v17, v16;
	v17 =	vmul.f32 v19, v6  }
0x14a: {  	v19 =	vld [tilespmem:s18+$0x8080]  }
0x14b: {  	v16 =	vadd.f32 v17, v16;
	v17 =	vmul.f32 v20, v7  }
0x14c: {  	v20 =	vld [tilespmem:s18+$0x8100]  }
0x14d: {  	v16 =	vadd.f32 v17, v16;
	v17 =	vmul.f32 v18, v8  }
0x14e: {  	v18 =	vld [tilespmem:s18+$0x8180]  }
0x14f: {  	v16 =	vadd.f32 v17, v16;
	v17 =	vmul.f32 v19, v9  }
0x150: {  	v19 =	vld [tilespmem:s18+$0x8200]  }
0x151: {  	v16 =	vadd.f32 v17, v16;
	v17 =	vmul.f32 v20, v10  }
0x152: {  	v20 =	vld [tilespmem:s18+$0x8280]  }
0x153: {  	v16 =	vadd.f32 v17, v16;
	v17 =	vmul.f32 v18, v11  }
0x154: {  	v18 =	vld [tilespmem:s18+$0x8300]  }
0x155: {  	v16 =	vadd.f32 v17, v16;
	v17 =	vmul.f32 v19, v12  }
0x156: {  	v19 =	vld [tilespmem:s18+$0x8380]  }
0x157: {  	v16 =	vadd.f32 v17, v16;
	v17 =	vmul.f32 v20, v13;
	_ =	sdelay $0x1  }
0x158: {  	v16 =	vadd.f32 v17, v16;
	v17 =	vmul.f32 v18, v14;
	_ =	sdelay $0x1  }
0x159: {  	v16 =	vadd.f32 v17, v16;
	v17 =	vmul.f32 v19, v15;
	_ =	sdelay $0x1  }
0x15a: {  	v16 =	vadd.f32 v17, v16;
	_ =	sdelay $0x1  }
0x15b: {  	[tilespmem:s15+$0xFFFFFFC0] =	vst v16  }
0x15c: {  	v16 =	vld [tilespmem:s18+$0x10];
	_ =	sdelay $0x1  }
0x15d: {  	v17 =	vld [tilespmem:s18+$0x90];
	_ =	sdelay $0x1  }
0x15e: {  	v18 =	vld [tilespmem:s18+$0x110]  }
0x15f: {  	v16 =	vmul.f32 v16, v4  }
0x160: {  	v19 =	vld [tilespmem:s18+$0x190]  }
0x161: {  	v16 =	vadd.f32 $0.0e+00, v16;
	v17 =	vmul.f32 v17, v5  }
0x162: {  	v20 =	vld [tilespmem:s18+$0x210]  }
0x163: {  	v16 =	vadd.f32 v17, v16;
	v17 =	vmul.f32 v18, v2  }
0x164: {  	v18 =	vld [tilespmem:s18+$0x290]  }
0x165: {  	v16 =	vadd.f32 v17, v16;
	v17 =	vmul.f32 v19, v0  }
0x166: {  	v19 =	vld [tilespmem:s18+$0x310]  }
0x167: {  	v16 =	vadd.f32 v17, v16;
	v17 =	vmul.f32 v20, v1  }
0x168: {  	v20 =	vld [tilespmem:s18+$0x390]  }
0x169: {  	v16 =	vadd.f32 v17, v16;
	v17 =	vmul.f32 v18, v3  }
0x16a: {  	v18 =	vld [tilespmem:s18+$0x8010]  }
0x16b: {  	v16 =	vadd.f32 v17, v16;
	v17 =	vmul.f32 v19, v6  }
0x16c: {  	v19 =	vld [tilespmem:s18+$0x8090]  }
0x16d: {  	v16 =	vadd.f32 v17, v16;
	v17 =	vmul.f32 v20, v7  }
0x16e: {  	v20 =	vld [tilespmem:s18+$0x8110]  }
0x16f: {  	v16 =	vadd.f32 v17, v16;
	v17 =	vmul.f32 v18, v8  }
0x170: {  	v18 =	vld [tilespmem:s18+$0x8190]  }
0x171: {  	v16 =	vadd.f32 v17, v16;
	v17 =	vmul.f32 v19, v9  }
0x172: {  	v19 =	vld [tilespmem:s18+$0x8210]  }
0x173: {  	v16 =	vadd.f32 v17, v16;
	v17 =	vmul.f32 v20, v10  }
0x174: {  	v20 =	vld [tilespmem:s18+$0x8290]  }
0x175: {  	v16 =	vadd.f32 v17, v16;
	v17 =	vmul.f32 v18, v11  }
0x176: {  	v18 =	vld [tilespmem:s18+$0x8310]  }
0x177: {  	v16 =	vadd.f32 v17, v16;
	v17 =	vmul.f32 v19, v12  }
0x178: {  	v19 =	vld [tilespmem:s18+$0x8390]  }
0x179: {  	v16 =	vadd.f32 v17, v16;
	v17 =	vmul.f32 v20, v13;
	_ =	sdelay $0x1  }
0x17a: {  	v16 =	vadd.f32 v17, v16;
	v17 =	vmul.f32 v18, v14;
	_ =	sdelay $0x1  }
0x17b: {  	v16 =	vadd.f32 v17, v16;
	v17 =	vmul.f32 v19, v15;
	_ =	sdelay $0x1  }
0x17c: {  	v16 =	vadd.f32 v17, v16;
	_ =	sdelay $0x1  }
0x17d: {  	[tilespmem:s15+$0xFFFFFFD0] =	vst v16  }
0x17e: {  	v16 =	vld [tilespmem:s18+$0x20];
	_ =	sdelay $0x1  }
0x17f: {  	v17 =	vld [tilespmem:s18+$0xA0];
	_ =	sdelay $0x1  }
0x180: {  	v18 =	vld [tilespmem:s18+$0x120]  }
0x181: {  	v16 =	vmul.f32 v16, v4  }
0x182: {  	v19 =	vld [tilespmem:s18+$0x1A0]  }
0x183: {  	v16 =	vadd.f32 $0.0e+00, v16;
	v17 =	vmul.f32 v17, v5  }
0x184: {  	v20 =	vld [tilespmem:s18+$0x220]  }
0x185: {  	v16 =	vadd.f32 v17, v16;
	v17 =	vmul.f32 v18, v2  }
0x186: {  	v18 =	vld [tilespmem:s18+$0x2A0]  }
0x187: {  	v16 =	vadd.f32 v17, v16;
	v17 =	vmul.f32 v19, v0  }
0x188: {  	v19 =	vld [tilespmem:s18+$0x320]  }
0x189: {  	v16 =	vadd.f32 v17, v16;
	v17 =	vmul.f32 v20, v1  }
0x18a: {  	v20 =	vld [tilespmem:s18+$0x3A0]  }
0x18b: {  	v16 =	vadd.f32 v17, v16;
	v17 =	vmul.f32 v18, v3  }
0x18c: {  	v18 =	vld [tilespmem:s18+$0x8020]  }
0x18d: {  	v16 =	vadd.f32 v17, v16;
	v17 =	vmul.f32 v19, v6  }
0x18e: {  	v19 =	vld [tilespmem:s18+$0x80A0]  }
0x18f: {  	v16 =	vadd.f32 v17, v16;
	v17 =	vmul.f32 v20, v7  }
0x190: {  	v20 =	vld [tilespmem:s18+$0x8120]  }
0x191: {  	v16 =	vadd.f32 v17, v16;
	v17 =	vmul.f32 v18, v8  }
0x192: {  	v18 =	vld [tilespmem:s18+$0x81A0]  }
0x193: {  	v16 =	vadd.f32 v17, v16;
	v17 =	vmul.f32 v19, v9  }
0x194: {  	v19 =	vld [tilespmem:s18+$0x8220]  }
0x195: {  	v16 =	vadd.f32 v17, v16;
	v17 =	vmul.f32 v20, v10  }
0x196: {  	v20 =	vld [tilespmem:s18+$0x82A0]  }
0x197: {  	v16 =	vadd.f32 v17, v16;
	v17 =	vmul.f32 v18, v11  }
0x198: {  	v18 =	vld [tilespmem:s18+$0x8320]  }
0x199: {  	v16 =	vadd.f32 v17, v16;
	v17 =	vmul.f32 v19, v12  }
0x19a: {  	v19 =	vld [tilespmem:s18+$0x83A0]  }
0x19b: {  	v16 =	vadd.f32 v17, v16;
	v17 =	vmul.f32 v20, v13;
	_ =	sdelay $0x1  }
0x19c: {  	v16 =	vadd.f32 v17, v16;
	v17 =	vmul.f32 v18, v14;
	_ =	sdelay $0x1  }
0x19d: {  	v16 =	vadd.f32 v17, v16;
	v17 =	vmul.f32 v19, v15;
	_ =	sdelay $0x1  }
0x19e: {  	v16 =	vadd.f32 v17, v16;
	_ =	sdelay $0x1  }
0x19f: {  	[tilespmem:s15+$0xFFFFFFE0] =	vst v16  }
0x1a0: {  	v16 =	vld [tilespmem:s18+$0x30];
	_ =	sdelay $0x1  }
0x1a1: {  	v17 =	vld [tilespmem:s18+$0xB0];
	_ =	sdelay $0x1  }
0x1a2: {  	v18 =	vld [tilespmem:s18+$0x130]  }
0x1a3: {  	v16 =	vmul.f32 v16, v4  }
0x1a4: {  	v19 =	vld [tilespmem:s18+$0x1B0]  }
0x1a5: {  	v16 =	vadd.f32 $0.0e+00, v16;
	v17 =	vmul.f32 v17, v5  }
0x1a6: {  	v20 =	vld [tilespmem:s18+$0x230]  }
0x1a7: {  	v16 =	vadd.f32 v17, v16;
	v17 =	vmul.f32 v18, v2  }
0x1a8: {  	v18 =	vld [tilespmem:s18+$0x2B0]  }
0x1a9: {  	v16 =	vadd.f32 v17, v16;
	v17 =	vmul.f32 v19, v0  }
0x1aa: {  	v19 =	vld [tilespmem:s18+$0x330]  }
0x1ab: {  	v16 =	vadd.f32 v17, v16;
	v17 =	vmul.f32 v20, v1  }
0x1ac: {  	v20 =	vld [tilespmem:s18+$0x3B0]  }
0x1ad: {  	v16 =	vadd.f32 v17, v16;
	v17 =	vmul.f32 v18, v3  }
0x1ae: {  	v18 =	vld [tilespmem:s18+$0x8030]  }
0x1af: {  	v16 =	vadd.f32 v17, v16;
	v17 =	vmul.f32 v19, v6  }
0x1b0: {  	v19 =	vld [tilespmem:s18+$0x80B0]  }
0x1b1: {  	v16 =	vadd.f32 v17, v16;
	v17 =	vmul.f32 v20, v7  }
0x1b2: {  	v20 =	vld [tilespmem:s18+$0x8130]  }
0x1b3: {  	v16 =	vadd.f32 v17, v16;
	v17 =	vmul.f32 v18, v8  }
0x1b4: {  	v18 =	vld [tilespmem:s18+$0x81B0]  }
0x1b5: {  	v16 =	vadd.f32 v17, v16;
	v17 =	vmul.f32 v19, v9  }
0x1b6: {  	v19 =	vld [tilespmem:s18+$0x8230]  }
0x1b7: {  	v16 =	vadd.f32 v17, v16;
	v17 =	vmul.f32 v20, v10  }
0x1b8: {  	v20 =	vld [tilespmem:s18+$0x82B0]  }
0x1b9: {  	v16 =	vadd.f32 v17, v16;
	v17 =	vmul.f32 v18, v11  }
0x1ba: {  	v18 =	vld [tilespmem:s18+$0x8330]  }
0x1bb: {  	v16 =	vadd.f32 v17, v16;
	v17 =	vmul.f32 v19, v12  }
0x1bc: {  	v19 =	vld [tilespmem:s18+$0x83B0]  }
0x1bd: {  	v16 =	vadd.f32 v17, v16;
	v17 =	vmul.f32 v20, v13;
	_ =	sdelay $0x1  }
0x1be: {  	v16 =	vadd.f32 v17, v16;
	v17 =	vmul.f32 v18, v14;
	_ =	sdelay $0x1  }
0x1bf: {  	v16 =	vadd.f32 v17, v16;
	v17 =	vmul.f32 v19, v15;
	_ =	sdelay $0x1  }
0x1c0: {  	v16 =	vadd.f32 v17, v16;
	_ =	sdelay $0x1  }
0x1c1: {  	[tilespmem:s15+$0xFFFFFFF0] =	vst v16  }
0x1c2: {  	v16 =	vld [tilespmem:s18+$0x40]  }
0x1c3: {  	v17 =	vld [tilespmem:s18+$0xC0]  }
0x1c4: {  	v18 =	vld [tilespmem:s18+$0x140]  }
0x1c5: {  	v19 =	vld [tilespmem:s18+$0x1C0]  }
0x1c6: {  	v20 =	vld [tilespmem:s18+$0x240]  }
0x1c7: {  	v16 =	vmul.f32 v16, v4;
	v21 =	vld [tilespmem:s18+$0x2C0]  }
0x1c8: {  	v22 =	vld [tilespmem:s18+$0x340]  }
0x1c9: {  	v17 =	vmul.f32 v17, v5;
	v16 =	vadd.f32 $0.0e+00, v16;
	v23 =	vld [tilespmem:s18+$0x3C0]  }
0x1ca: {  	v24 =	vld [tilespmem:s18+$0x8040]  }
0x1cb: {  	v16 =	vadd.f32 v17, v16;
	v17 =	vmul.f32 v18, v2;
	v18 =	vld [tilespmem:s18+$0x80C0]  }
0x1cc: {  	v25 =	vld [tilespmem:s18+$0x8140]  }
0x1cd: {  	v16 =	vadd.f32 v17, v16;
	v17 =	vmul.f32 v19, v0;
	v19 =	vld [tilespmem:s18+$0x81C0]  }
0x1ce: {  	v26 =	vld [tilespmem:s18+$0x8240]  }
0x1cf: {  	v16 =	vadd.f32 v17, v16;
	v17 =	vmul.f32 v20, v1;
	v20 =	vld [tilespmem:s18+$0x82C0]  }
0x1d0: {  	v27 =	vld [tilespmem:s18+$0x8340]  }
0x1d1: {  	v16 =	vadd.f32 v17, v16;
	v17 =	vmul.f32 v21, v3;
	v21 =	vld [tilespmem:s18+$0x83C0];
	_ =	sdelay $0x1  }
0x1d2: {  	v16 =	vadd.f32 v17, v16;
	v17 =	vmul.f32 v22, v6;
	_ =	sdelay $0x1  }
0x1d3: {  	v16 =	vadd.f32 v17, v16;
	v17 =	vmul.f32 v23, v7;
	_ =	sdelay $0x1  }
0x1d4: {  	v16 =	vadd.f32 v17, v16;
	v17 =	vmul.f32 v24, v8;
	_ =	sdelay $0x1  }
0x1d5: {  	v16 =	vadd.f32 v17, v16;
	v17 =	vmul.f32 v18, v9;
	_ =	sdelay $0x1  }
0x1d6: {  	v16 =	vadd.f32 v17, v16;
	v17 =	vmul.f32 v25, v10;
	_ =	sdelay $0x1  }
0x1d7: {  	v16 =	vadd.f32 v17, v16;
	v17 =	vmul.f32 v19, v11;
	_ =	sdelay $0x1  }
0x1d8: {  	v16 =	vadd.f32 v17, v16;
	v17 =	vmul.f32 v26, v12;
	_ =	sdelay $0x1  }
0x1d9: {  	v16 =	vadd.f32 v17, v16;
	v17 =	vmul.f32 v20, v13;
	_ =	sdelay $0x1  }
0x1da: {  	v16 =	vadd.f32 v17, v16;
	v17 =	vmul.f32 v27, v14;
	_ =	sdelay $0x1  }
0x1db: {  	v16 =	vadd.f32 v17, v16;
	v17 =	vmul.f32 v21, v15;
	_ =	sdelay $0x1  }
0x1dc: {  	v16 =	vadd.f32 v17, v16;
	_ =	sdelay $0x1  }
0x1dd: {  	[tilespmem:s15+$0x0] =	vst v16  }
0x1de: {  	v16 =	vld [tilespmem:s18+$0x50]  }
0x1df: {  	v17 =	vld [tilespmem:s18+$0xD0]  }
0x1e0: {  	v18 =	vld [tilespmem:s18+$0x150]  }
0x1e1: {  	v19 =	vld [tilespmem:s18+$0x1D0]  }
0x1e2: {  	v20 =	vld [tilespmem:s18+$0x250]  }
0x1e3: {  	v16 =	vmul.f32 v16, v4;
	v21 =	vld [tilespmem:s18+$0x2D0]  }
0x1e4: {  	v22 =	vld [tilespmem:s18+$0x350]  }
0x1e5: {  	v17 =	vmul.f32 v17, v5;
	v16 =	vadd.f32 $0.0e+00, v16;
	v23 =	vld [tilespmem:s18+$0x3D0]  }
0x1e6: {  	v24 =	vld [tilespmem:s18+$0x8050]  }
0x1e7: {  	v16 =	vadd.f32 v17, v16;
	v17 =	vmul.f32 v18, v2;
	v18 =	vld [tilespmem:s18+$0x80D0]  }
0x1e8: {  	v25 =	vld [tilespmem:s18+$0x8150]  }
0x1e9: {  	v16 =	vadd.f32 v17, v16;
	v17 =	vmul.f32 v19, v0;
	v19 =	vld [tilespmem:s18+$0x81D0]  }
0x1ea: {  	v26 =	vld [tilespmem:s18+$0x8250]  }
0x1eb: {  	v16 =	vadd.f32 v17, v16;
	v17 =	vmul.f32 v20, v1;
	v20 =	vld [tilespmem:s18+$0x82D0]  }
0x1ec: {  	v27 =	vld [tilespmem:s18+$0x8350]  }
0x1ed: {  	v16 =	vadd.f32 v17, v16;
	v17 =	vmul.f32 v21, v3;
	v21 =	vld [tilespmem:s18+$0x83D0];
	_ =	sdelay $0x1  }
0x1ee: {  	v16 =	vadd.f32 v17, v16;
	v17 =	vmul.f32 v22, v6;
	_ =	sdelay $0x1  }
0x1ef: {  	v16 =	vadd.f32 v17, v16;
	v17 =	vmul.f32 v23, v7;
	_ =	sdelay $0x1  }
0x1f0: {  	v16 =	vadd.f32 v17, v16;
	v17 =	vmul.f32 v24, v8;
	_ =	sdelay $0x1  }
0x1f1: {  	v16 =	vadd.f32 v17, v16;
	v17 =	vmul.f32 v18, v9;
	_ =	sdelay $0x1  }
0x1f2: {  	v16 =	vadd.f32 v17, v16;
	v17 =	vmul.f32 v25, v10;
	_ =	sdelay $0x1  }
0x1f3: {  	v16 =	vadd.f32 v17, v16;
	v17 =	vmul.f32 v19, v11;
	_ =	sdelay $0x1  }
0x1f4: {  	v16 =	vadd.f32 v17, v16;
	v17 =	vmul.f32 v26, v12;
	_ =	sdelay $0x1  }
0x1f5: {  	v16 =	vadd.f32 v17, v16;
	v17 =	vmul.f32 v20, v13;
	_ =	sdelay $0x1  }
0x1f6: {  	v16 =	vadd.f32 v17, v16;
	v17 =	vmul.f32 v27, v14;
	_ =	sdelay $0x1  }
0x1f7: {  	v16 =	vadd.f32 v17, v16;
	v17 =	vmul.f32 v21, v15;
	_ =	sdelay $0x1  }
0x1f8: {  	v16 =	vadd.f32 v17, v16;
	_ =	sdelay $0x1  }
0x1f9: {  	[tilespmem:s15+$0x10] =	vst v16  }
0x1fa: {  	v16 =	vld [tilespmem:s18+$0x60]  }
0x1fb: {  	v17 =	vld [tilespmem:s18+$0xE0]  }
0x1fc: {  	v18 =	vld [tilespmem:s18+$0x160]  }
0x1fd: {  	v19 =	vld [tilespmem:s18+$0x1E0]  }
0x1fe: {  	v20 =	vld [tilespmem:s18+$0x260]  }
0x1ff: {  	v16 =	vmul.f32 v16, v4;
	v21 =	vld [tilespmem:s18+$0x2E0]  }
0x200: {  	v22 =	vld [tilespmem:s18+$0x360]  }
0x201: {  	v17 =	vmul.f32 v17, v5;
	v16 =	vadd.f32 $0.0e+00, v16;
	v23 =	vld [tilespmem:s18+$0x3E0]  }
0x202: {  	v24 =	vld [tilespmem:s18+$0x8060]  }
0x203: {  	v16 =	vadd.f32 v17, v16;
	v17 =	vmul.f32 v18, v2;
	v18 =	vld [tilespmem:s18+$0x80E0]  }
0x204: {  	v25 =	vld [tilespmem:s18+$0x8160]  }
0x205: {  	v16 =	vadd.f32 v17, v16;
	v17 =	vmul.f32 v19, v0;
	v19 =	vld [tilespmem:s18+$0x81E0]  }
0x206: {  	v26 =	vld [tilespmem:s18+$0x8260]  }
0x207: {  	v16 =	vadd.f32 v17, v16;
	v17 =	vmul.f32 v20, v1;
	v20 =	vld [tilespmem:s18+$0x82E0]  }
0x208: {  	v27 =	vld [tilespmem:s18+$0x8360]  }
0x209: {  	v16 =	vadd.f32 v17, v16;
	v17 =	vmul.f32 v21, v3;
	v21 =	vld [tilespmem:s18+$0x83E0];
	_ =	sdelay $0x1  }
0x20a: {  	v16 =	vadd.f32 v17, v16;
	v17 =	vmul.f32 v22, v6;
	_ =	sdelay $0x1  }
0x20b: {  	v16 =	vadd.f32 v17, v16;
	v17 =	vmul.f32 v23, v7;
	_ =	sdelay $0x1  }
0x20c: {  	v16 =	vadd.f32 v17, v16;
	v17 =	vmul.f32 v24, v8;
	_ =	sdelay $0x1  }
0x20d: {  	v16 =	vadd.f32 v17, v16;
	v17 =	vmul.f32 v18, v9;
	_ =	sdelay $0x1  }
0x20e: {  	v16 =	vadd.f32 v17, v16;
	v17 =	vmul.f32 v25, v10;
	_ =	sdelay $0x1  }
0x20f: {  	v16 =	vadd.f32 v17, v16;
	v17 =	vmul.f32 v19, v11;
	_ =	sdelay $0x1  }
0x210: {  	v16 =	vadd.f32 v17, v16;
	v17 =	vmul.f32 v26, v12;
	_ =	sdelay $0x1  }
0x211: {  	v16 =	vadd.f32 v17, v16;
	v17 =	vmul.f32 v20, v13;
	_ =	sdelay $0x1  }
0x212: {  	v16 =	vadd.f32 v17, v16;
	v17 =	vmul.f32 v27, v14;
	_ =	sdelay $0x1  }
0x213: {  	v16 =	vadd.f32 v17, v16;
	v17 =	vmul.f32 v21, v15;
	_ =	sdelay $0x1  }
0x214: {  	v16 =	vadd.f32 v17, v16;
	_ =	sdelay $0x1  }
0x215: {  	[tilespmem:s15+$0x20] =	vst v16  }
0x216: {  	v16 =	vld [tilespmem:s18+$0x70]  }
0x217: {  	v17 =	vld [tilespmem:s18+$0xF0]  }
0x218: {  	v18 =	vld [tilespmem:s18+$0x170]  }
0x219: {  	v19 =	vld [tilespmem:s18+$0x1F0]  }
0x21a: {  	v20 =	vld [tilespmem:s18+$0x270]  }
0x21b: {  	v16 =	vmul.f32 v16, v4;
	v21 =	vld [tilespmem:s18+$0x2F0]  }
0x21c: {  	v22 =	vld [tilespmem:s18+$0x370]  }
0x21d: {  	v17 =	vmul.f32 v17, v5;
	v16 =	vadd.f32 $0.0e+00, v16;
	v23 =	vld [tilespmem:s18+$0x3F0]  }
0x21e: {  	v24 =	vld [tilespmem:s18+$0x8070]  }
0x21f: {  	v16 =	vadd.f32 v17, v16;
	v17 =	vmul.f32 v18, v2;
	v18 =	vld [tilespmem:s18+$0x80F0]  }
0x220: {  	v25 =	vld [tilespmem:s18+$0x8170]  }
0x221: {  	v16 =	vadd.f32 v17, v16;
	v17 =	vmul.f32 v19, v0;
	v19 =	vld [tilespmem:s18+$0x81F0]  }
0x222: {  	v26 =	vld [tilespmem:s18+$0x8270]  }
0x223: {  	v16 =	vadd.f32 v17, v16;
	v17 =	vmul.f32 v20, v1;
	v20 =	vld [tilespmem:s18+$0x82F0]  }
0x224: {  	v27 =	vld [tilespmem:s18+$0x8370]  }
0x225: {  	v16 =	vadd.f32 v17, v16;
	v17 =	vmul.f32 v21, v3;
	v21 =	vld [tilespmem:s18+$0x83F0];
	_ =	sdelay $0x1  }
0x226: {  	v16 =	vadd.f32 v17, v16;
	v17 =	vmul.f32 v22, v6;
	_ =	sdelay $0x1  }
0x227: {  	v16 =	vadd.f32 v17, v16;
	v17 =	vmul.f32 v23, v7;
	_ =	sdelay $0x1  }
0x228: {  	v16 =	vadd.f32 v17, v16;
	v17 =	vmul.f32 v24, v8;
	_ =	sdelay $0x1  }
0x229: {  	v16 =	vadd.f32 v17, v16;
	v17 =	vmul.f32 v18, v9;
	_ =	sdelay $0x1  }
0x22a: {  	v16 =	vadd.f32 v17, v16;
	v17 =	vmul.f32 v25, v10;
	_ =	sdelay $0x1  }
0x22b: {  	v16 =	vadd.f32 v17, v16;
	v17 =	vmul.f32 v19, v11;
	_ =	sdelay $0x1  }
0x22c: {  	v16 =	vadd.f32 v17, v16;
	v17 =	vmul.f32 v26, v12;
	_ =	sdelay $0x1  }
0x22d: {  	v16 =	vadd.f32 v17, v16;
	v17 =	vmul.f32 v20, v13;
	_ =	sdelay $0x1  }
.Ltmp5:
0x22e: {  	v16 =	vadd.f32 v17, v16;
	v17 =	vmul.f32 v27, v14;
	(pc) =	sbr.rel @p0 .LBB2_4-.Ltmp5, $3  }
0x22f: {  	_ = 	snop  }
0x230: {  	v16 =	vadd.f32 v17, v16;
	v17 =	vmul.f32 v21, v15;
	_ =	sdelay $0x1  }
0x231: {  	s19 =	smov.u32 s17;
	v16 =	vadd.f32 v17, v16  }
0x232: {  	_ = 	snop  }
0x233: {  	s16 =	sshra.s32 s16, $0x2;
	[tilespmem:s15+$0x30] =	vst v16  }
0x234: {  	v16 =	vld [tilespmem:s16+$0x0];
	_ =	sdelay $0x1  }
0x235: {  	v17 =	vld [tilespmem:s16+$0x80];
	_ =	sdelay $0x1  }
0x236: {  	v18 =	vld [tilespmem:s16+$0x100]  }
0x237: {  	v16 =	vmul.f32 v16, v4  }
0x238: {  	v19 =	vld [tilespmem:s16+$0x180]  }
0x239: {  	v17 =	vmul.f32 v17, v5;
	v16 =	vadd.f32 $0.0e+00, v16  }
0x23a: {  	v20 =	vld [tilespmem:s16+$0x200]  }
0x23b: {  	v42 =	vmul.f32 v18, v2;
	v16 =	vadd.f32 v17, v16  }
0x23c: {  	v43 =	vld [tilespmem:s16+$0x280]  }
0x23d: {  	v44 =	vmul.f32 v19, v0;
	v16 =	vadd.f32 v42, v16  }
0x23e: {  	v45 =	vld [tilespmem:s16+$0x300]  }
0x23f: {  	v46 =	vmul.f32 v20, v1;
	v16 =	vadd.f32 v44, v16  }
0x240: {  	v47 =	vld [tilespmem:s16+$0x380]  }
0x241: {  	v48 =	vmul.f32 v43, v3;
	v16 =	vadd.f32 v46, v16  }
0x242: {  	v49 =	vld [tilespmem:s16+$0x8000]  }
0x243: {  	v50 =	vmul.f32 v45, v6;
	v16 =	vadd.f32 v48, v16  }
0x244: {  	v51 =	vld [tilespmem:s16+$0x8080]  }
0x245: {  	v52 =	vmul.f32 v47, v7;
	v16 =	vadd.f32 v50, v16  }
0x246: {  	v53 =	vld [tilespmem:s16+$0x8100]  }
0x247: {  	v54 =	vmul.f32 v49, v8;
	v16 =	vadd.f32 v52, v16  }
0x248: {  	v55 =	vld [tilespmem:s16+$0x8180]  }
0x249: {  	v56 =	vmul.f32 v51, v9;
	v16 =	vadd.f32 v54, v16  }
0x24a: {  	v57 =	vld [tilespmem:s16+$0x8200]  }
0x24b: {  	v58 =	vmul.f32 v53, v10;
	v16 =	vadd.f32 v56, v16  }
0x24c: {  	v59 =	vld [tilespmem:s16+$0x8280]  }
0x24d: {  	v60 =	vmul.f32 v55, v11;
	v16 =	vadd.f32 v58, v16  }
0x24e: {  	v61 =	vld [tilespmem:s16+$0x8300]  }
0x24f: {  	v62 =	vmul.f32 v57, v12;
	v16 =	vadd.f32 v60, v16  }
0x250: {  	v63 =	vld [tilespmem:s16+$0x8380]  }
0x251: {  	v20 =	vmul.f32 v59, v13;
	v16 =	vadd.f32 v62, v16;
	_ =	sdelay $0x1  }
0x252: {  	v21 =	vmul.f32 v61, v14;
	v16 =	vadd.f32 v20, v16;
	_ =	sdelay $0x1  }
0x253: {  	v22 =	vmul.f32 v63, v15;
	v16 =	vadd.f32 v21, v16;
	_ =	sdelay $0x1  }
0x254: {  	v16 =	vadd.f32 v22, v16  }
0x255: {  	s31 =	sadd.s32 $0x80, s15  }
0x256: {  	[tilespmem:s31+$0xFFFFFFC0] =	vst v16  }
0x257: {  	v16 =	vld [tilespmem:s16+$0x10];
	_ =	sdelay $0x1  }
0x258: {  	v23 =	vld [tilespmem:s16+$0x90];
	_ =	sdelay $0x1  }
0x259: {  	v24 =	vld [tilespmem:s16+$0x110]  }
0x25a: {  	v16 =	vmul.f32 v16, v4  }
0x25b: {  	v25 =	vld [tilespmem:s16+$0x190]  }
0x25c: {  	v17 =	vmul.f32 v23, v5;
	v16 =	vadd.f32 $0.0e+00, v16  }
0x25d: {  	v26 =	vld [tilespmem:s16+$0x210]  }
0x25e: {  	v27 =	vmul.f32 v24, v2;
	v16 =	vadd.f32 v17, v16  }
0x25f: {  	v28 =	vld [tilespmem:s16+$0x290]  }
0x260: {  	v29 =	vmul.f32 v25, v0;
	v16 =	vadd.f32 v27, v16  }
0x261: {  	v30 =	vld [tilespmem:s16+$0x310]  }
0x262: {  	v31 =	vmul.f32 v26, v1;
	v16 =	vadd.f32 v29, v16  }
0x263: {  	v32 =	vld [tilespmem:s16+$0x390]  }
0x264: {  	v33 =	vmul.f32 v28, v3;
	v16 =	vadd.f32 v31, v16  }
0x265: {  	v34 =	vld [tilespmem:s16+$0x8010]  }
0x266: {  	v35 =	vmul.f32 v30, v6;
	v16 =	vadd.f32 v33, v16  }
0x267: {  	v36 =	vld [tilespmem:s16+$0x8090]  }
0x268: {  	v37 =	vmul.f32 v32, v7;
	v16 =	vadd.f32 v35, v16  }
0x269: {  	v38 =	vld [tilespmem:s16+$0x8110]  }
0x26a: {  	v39 =	vmul.f32 v34, v8;
	v16 =	vadd.f32 v37, v16  }
0x26b: {  	v40 =	vld [tilespmem:s16+$0x8190]  }
0x26c: {  	v41 =	vmul.f32 v36, v9;
	v16 =	vadd.f32 v39, v16  }
0x26d: {  	v42 =	vld [tilespmem:s16+$0x8210]  }
0x26e: {  	v43 =	vmul.f32 v38, v10;
	v16 =	vadd.f32 v41, v16  }
0x26f: {  	v44 =	vld [tilespmem:s16+$0x8290]  }
0x270: {  	v45 =	vmul.f32 v40, v11;
	v16 =	vadd.f32 v43, v16  }
0x271: {  	v46 =	vld [tilespmem:s16+$0x8310]  }
0x272: {  	v47 =	vmul.f32 v42, v12;
	v16 =	vadd.f32 v45, v16  }
0x273: {  	v48 =	vld [tilespmem:s16+$0x8390]  }
0x274: {  	v49 =	vmul.f32 v44, v13;
	v16 =	vadd.f32 v47, v16;
	_ =	sdelay $0x1  }
0x275: {  	v50 =	vmul.f32 v46, v14;
	v16 =	vadd.f32 v49, v16;
	_ =	sdelay $0x1  }
0x276: {  	v51 =	vmul.f32 v48, v15;
	v16 =	vadd.f32 v50, v16;
	_ =	sdelay $0x1  }
0x277: {  	v16 =	vadd.f32 v51, v16;
	_ =	sdelay $0x1  }
0x278: {  	[tilespmem:s31+$0xFFFFFFD0] =	vst v16  }
0x279: {  	v16 =	vld [tilespmem:s16+$0x20];
	_ =	sdelay $0x1  }
0x27a: {  	v52 =	vld [tilespmem:s16+$0xA0];
	_ =	sdelay $0x1  }
0x27b: {  	v53 =	vld [tilespmem:s16+$0x120]  }
0x27c: {  	v16 =	vmul.f32 v16, v4  }
0x27d: {  	v54 =	vld [tilespmem:s16+$0x1A0]  }
0x27e: {  	v17 =	vmul.f32 v52, v5;
	v16 =	vadd.f32 $0.0e+00, v16  }
0x27f: {  	v55 =	vld [tilespmem:s16+$0x220]  }
0x280: {  	v56 =	vmul.f32 v53, v2;
	v16 =	vadd.f32 v17, v16  }
0x281: {  	v57 =	vld [tilespmem:s16+$0x2A0]  }
0x282: {  	v58 =	vmul.f32 v54, v0;
	v16 =	vadd.f32 v56, v16  }
0x283: {  	v59 =	vld [tilespmem:s16+$0x320]  }
0x284: {  	v60 =	vmul.f32 v55, v1;
	v16 =	vadd.f32 v58, v16  }
0x285: {  	v61 =	vld [tilespmem:s16+$0x3A0]  }
0x286: {  	v62 =	vmul.f32 v57, v3;
	v16 =	vadd.f32 v60, v16  }
0x287: {  	v63 =	vld [tilespmem:s16+$0x8020]  }
0x288: {  	v23 =	vmul.f32 v59, v6;
	v16 =	vadd.f32 v62, v16  }
0x289: {  	v24 =	vld [tilespmem:s16+$0x80A0]  }
0x28a: {  	v25 =	vmul.f32 v61, v7;
	v16 =	vadd.f32 v23, v16  }
0x28b: {  	v26 =	vld [tilespmem:s16+$0x8120]  }
0x28c: {  	v27 =	vmul.f32 v63, v8;
	v16 =	vadd.f32 v25, v16  }
0x28d: {  	v28 =	vld [tilespmem:s16+$0x81A0]  }
0x28e: {  	v29 =	vmul.f32 v24, v9;
	v16 =	vadd.f32 v27, v16  }
0x28f: {  	v30 =	vld [tilespmem:s16+$0x8220]  }
0x290: {  	v31 =	vmul.f32 v26, v10;
	v16 =	vadd.f32 v29, v16  }
0x291: {  	v32 =	vld [tilespmem:s16+$0x82A0]  }
0x292: {  	v33 =	vmul.f32 v28, v11;
	v16 =	vadd.f32 v31, v16  }
0x293: {  	v34 =	vld [tilespmem:s16+$0x8320]  }
0x294: {  	v35 =	vmul.f32 v30, v12;
	v16 =	vadd.f32 v33, v16  }
0x295: {  	v36 =	vld [tilespmem:s16+$0x83A0]  }
0x296: {  	v37 =	vmul.f32 v32, v13;
	v16 =	vadd.f32 v35, v16;
	_ =	sdelay $0x1  }
0x297: {  	v38 =	vmul.f32 v34, v14;
	v16 =	vadd.f32 v37, v16;
	_ =	sdelay $0x1  }
0x298: {  	v39 =	vmul.f32 v36, v15;
	v16 =	vadd.f32 v38, v16;
	_ =	sdelay $0x1  }
0x299: {  	v16 =	vadd.f32 v39, v16;
	_ =	sdelay $0x1  }
0x29a: {  	[tilespmem:s31+$0xFFFFFFE0] =	vst v16  }
0x29b: {  	v16 =	vld [tilespmem:s16+$0x30];
	_ =	sdelay $0x1  }
0x29c: {  	v40 =	vld [tilespmem:s16+$0xB0];
	_ =	sdelay $0x1  }
0x29d: {  	v41 =	vld [tilespmem:s16+$0x130]  }
0x29e: {  	v16 =	vmul.f32 v16, v4  }
0x29f: {  	v42 =	vld [tilespmem:s16+$0x1B0]  }
0x2a0: {  	v17 =	vmul.f32 v40, v5;
	v16 =	vadd.f32 $0.0e+00, v16  }
0x2a1: {  	v43 =	vld [tilespmem:s16+$0x230]  }
0x2a2: {  	v44 =	vmul.f32 v41, v2;
	v16 =	vadd.f32 v17, v16  }
0x2a3: {  	v45 =	vld [tilespmem:s16+$0x2B0]  }
0x2a4: {  	v46 =	vmul.f32 v42, v0;
	v16 =	vadd.f32 v44, v16  }
0x2a5: {  	v47 =	vld [tilespmem:s16+$0x330]  }
0x2a6: {  	v48 =	vmul.f32 v43, v1;
	v16 =	vadd.f32 v46, v16  }
0x2a7: {  	v49 =	vld [tilespmem:s16+$0x3B0]  }
0x2a8: {  	v50 =	vmul.f32 v45, v3;
	v16 =	vadd.f32 v48, v16  }
0x2a9: {  	v51 =	vld [tilespmem:s16+$0x8030]  }
0x2aa: {  	v52 =	vmul.f32 v47, v6;
	v16 =	vadd.f32 v50, v16  }
0x2ab: {  	v53 =	vld [tilespmem:s16+$0x80B0]  }
0x2ac: {  	v54 =	vmul.f32 v49, v7;
	v16 =	vadd.f32 v52, v16  }
0x2ad: {  	v55 =	vld [tilespmem:s16+$0x8130]  }
0x2ae: {  	v56 =	vmul.f32 v51, v8;
	v16 =	vadd.f32 v54, v16  }
0x2af: {  	v57 =	vld [tilespmem:s16+$0x81B0]  }
0x2b0: {  	v58 =	vmul.f32 v53, v9;
	v16 =	vadd.f32 v56, v16  }
0x2b1: {  	v59 =	vld [tilespmem:s16+$0x8230]  }
0x2b2: {  	v60 =	vmul.f32 v55, v10;
	v16 =	vadd.f32 v58, v16  }
0x2b3: {  	v61 =	vld [tilespmem:s16+$0x82B0]  }
0x2b4: {  	v62 =	vmul.f32 v57, v11;
	v16 =	vadd.f32 v60, v16  }
0x2b5: {  	v63 =	vld [tilespmem:s16+$0x8330]  }
0x2b6: {  	v21 =	vmul.f32 v59, v12;
	v16 =	vadd.f32 v62, v16  }
0x2b7: {  	v22 =	vld [tilespmem:s16+$0x83B0]  }
0x2b8: {  	v23 =	vmul.f32 v61, v13;
	v16 =	vadd.f32 v21, v16;
	_ =	sdelay $0x1  }
0x2b9: {  	v24 =	vmul.f32 v63, v14;
	v16 =	vadd.f32 v23, v16;
	_ =	sdelay $0x1  }
0x2ba: {  	v25 =	vmul.f32 v22, v15;
	v16 =	vadd.f32 v24, v16;
	_ =	sdelay $0x1  }
0x2bb: {  	v16 =	vadd.f32 v25, v16;
	_ =	sdelay $0x1  }
0x2bc: {  	[tilespmem:s31+$0xFFFFFFF0] =	vst v16  }
0x2bd: {  	v16 =	vld [tilespmem:s16+$0x40];
	_ =	sdelay $0x1  }
0x2be: {  	v26 =	vld [tilespmem:s16+$0xC0];
	_ =	sdelay $0x1  }
0x2bf: {  	v27 =	vld [tilespmem:s16+$0x140]  }
0x2c0: {  	v16 =	vmul.f32 v16, v4  }
0x2c1: {  	v28 =	vld [tilespmem:s16+$0x1C0]  }
0x2c2: {  	v17 =	vmul.f32 v26, v5;
	v16 =	vadd.f32 $0.0e+00, v16  }
0x2c3: {  	v29 =	vld [tilespmem:s16+$0x240]  }
0x2c4: {  	v30 =	vmul.f32 v27, v2;
	v16 =	vadd.f32 v17, v16  }
0x2c5: {  	v31 =	vld [tilespmem:s16+$0x2C0]  }
0x2c6: {  	v32 =	vmul.f32 v28, v0;
	v16 =	vadd.f32 v30, v16  }
0x2c7: {  	v33 =	vld [tilespmem:s16+$0x340]  }
0x2c8: {  	v34 =	vmul.f32 v29, v1;
	v16 =	vadd.f32 v32, v16  }
0x2c9: {  	v35 =	vld [tilespmem:s16+$0x3C0]  }
0x2ca: {  	v36 =	vmul.f32 v31, v3;
	v16 =	vadd.f32 v34, v16  }
0x2cb: {  	v37 =	vld [tilespmem:s16+$0x8040]  }
0x2cc: {  	v38 =	vmul.f32 v33, v6;
	v16 =	vadd.f32 v36, v16  }
0x2cd: {  	v39 =	vld [tilespmem:s16+$0x80C0]  }
0x2ce: {  	v40 =	vmul.f32 v35, v7;
	v16 =	vadd.f32 v38, v16  }
0x2cf: {  	v41 =	vld [tilespmem:s16+$0x8140]  }
0x2d0: {  	v42 =	vmul.f32 v37, v8;
	v16 =	vadd.f32 v40, v16  }
0x2d1: {  	v43 =	vld [tilespmem:s16+$0x81C0]  }
0x2d2: {  	v44 =	vmul.f32 v39, v9;
	v16 =	vadd.f32 v42, v16  }
0x2d3: {  	v45 =	vld [tilespmem:s16+$0x8240]  }
0x2d4: {  	v46 =	vmul.f32 v41, v10;
	v16 =	vadd.f32 v44, v16  }
0x2d5: {  	v47 =	vld [tilespmem:s16+$0x82C0]  }
0x2d6: {  	v48 =	vmul.f32 v43, v11;
	v16 =	vadd.f32 v46, v16  }
0x2d7: {  	v49 =	vld [tilespmem:s16+$0x8340]  }
0x2d8: {  	v50 =	vmul.f32 v45, v12;
	v16 =	vadd.f32 v48, v16  }
0x2d9: {  	v51 =	vld [tilespmem:s16+$0x83C0]  }
0x2da: {  	v52 =	vmul.f32 v47, v13;
	v16 =	vadd.f32 v50, v16;
	_ =	sdelay $0x1  }
0x2db: {  	v53 =	vmul.f32 v49, v14;
	v16 =	vadd.f32 v52, v16;
	_ =	sdelay $0x1  }
0x2dc: {  	v54 =	vmul.f32 v51, v15;
	v16 =	vadd.f32 v53, v16;
	_ =	sdelay $0x1  }
0x2dd: {  	v16 =	vadd.f32 v54, v16;
	_ =	sdelay $0x1  }
0x2de: {  	[tilespmem:s31+$0x0] =	vst v16  }
0x2df: {  	v16 =	vld [tilespmem:s16+$0x50];
	_ =	sdelay $0x1  }
0x2e0: {  	v55 =	vld [tilespmem:s16+$0xD0];
	_ =	sdelay $0x1  }
0x2e1: {  	v56 =	vld [tilespmem:s16+$0x150]  }
0x2e2: {  	v16 =	vmul.f32 v16, v4  }
0x2e3: {  	v57 =	vld [tilespmem:s16+$0x1D0]  }
0x2e4: {  	v17 =	vmul.f32 v55, v5;
	v16 =	vadd.f32 $0.0e+00, v16  }
0x2e5: {  	v58 =	vld [tilespmem:s16+$0x250]  }
0x2e6: {  	v59 =	vmul.f32 v56, v2;
	v16 =	vadd.f32 v17, v16  }
0x2e7: {  	v60 =	vld [tilespmem:s16+$0x2D0]  }
0x2e8: {  	v61 =	vmul.f32 v57, v0;
	v16 =	vadd.f32 v59, v16  }
0x2e9: {  	v62 =	vld [tilespmem:s16+$0x350]  }
0x2ea: {  	v63 =	vmul.f32 v58, v1;
	v16 =	vadd.f32 v61, v16  }
0x2eb: {  	v24 =	vld [tilespmem:s16+$0x3D0]  }
0x2ec: {  	v25 =	vmul.f32 v60, v3;
	v16 =	vadd.f32 v63, v16  }
0x2ed: {  	v26 =	vld [tilespmem:s16+$0x8050]  }
0x2ee: {  	v27 =	vmul.f32 v62, v6;
	v16 =	vadd.f32 v25, v16  }
0x2ef: {  	v28 =	vld [tilespmem:s16+$0x80D0]  }
0x2f0: {  	v29 =	vmul.f32 v24, v7;
	v16 =	vadd.f32 v27, v16  }
0x2f1: {  	v30 =	vld [tilespmem:s16+$0x8150]  }
0x2f2: {  	v31 =	vmul.f32 v26, v8;
	v16 =	vadd.f32 v29, v16  }
0x2f3: {  	v32 =	vld [tilespmem:s16+$0x81D0]  }
0x2f4: {  	v33 =	vmul.f32 v28, v9;
	v16 =	vadd.f32 v31, v16  }
0x2f5: {  	v34 =	vld [tilespmem:s16+$0x8250]  }
0x2f6: {  	v35 =	vmul.f32 v30, v10;
	v16 =	vadd.f32 v33, v16  }
0x2f7: {  	v36 =	vld [tilespmem:s16+$0x82D0]  }
0x2f8: {  	v37 =	vmul.f32 v32, v11;
	v16 =	vadd.f32 v35, v16  }
0x2f9: {  	v38 =	vld [tilespmem:s16+$0x8350]  }
0x2fa: {  	v39 =	vmul.f32 v34, v12;
	v16 =	vadd.f32 v37, v16  }
0x2fb: {  	v40 =	vld [tilespmem:s16+$0x83D0]  }
0x2fc: {  	v41 =	vmul.f32 v36, v13;
	v16 =	vadd.f32 v39, v16;
	_ =	sdelay $0x1  }
0x2fd: {  	v42 =	vmul.f32 v38, v14;
	v16 =	vadd.f32 v41, v16;
	_ =	sdelay $0x1  }
0x2fe: {  	v43 =	vmul.f32 v40, v15;
	v16 =	vadd.f32 v42, v16;
	_ =	sdelay $0x1  }
0x2ff: {  	v16 =	vadd.f32 v43, v16;
	_ =	sdelay $0x1  }
0x300: {  	[tilespmem:s31+$0x10] =	vst v16  }
0x301: {  	v16 =	vld [tilespmem:s16+$0x60];
	_ =	sdelay $0x1  }
0x302: {  	v44 =	vld [tilespmem:s16+$0xE0];
	_ =	sdelay $0x1  }
0x303: {  	v45 =	vld [tilespmem:s16+$0x160]  }
0x304: {  	v16 =	vmul.f32 v16, v4  }
0x305: {  	v46 =	vld [tilespmem:s16+$0x1E0]  }
0x306: {  	v17 =	vmul.f32 v44, v5;
	v16 =	vadd.f32 $0.0e+00, v16  }
0x307: {  	v47 =	vld [tilespmem:s16+$0x260]  }
0x308: {  	v48 =	vmul.f32 v45, v2;
	v16 =	vadd.f32 v17, v16  }
0x309: {  	v49 =	vld [tilespmem:s16+$0x2E0]  }
0x30a: {  	v50 =	vmul.f32 v46, v0;
	v16 =	vadd.f32 v48, v16  }
0x30b: {  	v51 =	vld [tilespmem:s16+$0x360]  }
0x30c: {  	v52 =	vmul.f32 v47, v1;
	v16 =	vadd.f32 v50, v16  }
0x30d: {  	v53 =	vld [tilespmem:s16+$0x3E0]  }
0x30e: {  	v54 =	vmul.f32 v49, v3;
	v16 =	vadd.f32 v52, v16  }
0x30f: {  	v55 =	vld [tilespmem:s16+$0x8060]  }
0x310: {  	v56 =	vmul.f32 v51, v6;
	v16 =	vadd.f32 v54, v16  }
0x311: {  	v57 =	vld [tilespmem:s16+$0x80E0]  }
0x312: {  	v58 =	vmul.f32 v53, v7;
	v16 =	vadd.f32 v56, v16  }
0x313: {  	v59 =	vld [tilespmem:s16+$0x8160]  }
0x314: {  	v60 =	vmul.f32 v55, v8;
	v16 =	vadd.f32 v58, v16  }
0x315: {  	v61 =	vld [tilespmem:s16+$0x81E0]  }
0x316: {  	v62 =	vmul.f32 v57, v9;
	v16 =	vadd.f32 v60, v16  }
0x317: {  	v63 =	vld [tilespmem:s16+$0x8260]  }
0x318: {  	v24 =	vmul.f32 v59, v10;
	v16 =	vadd.f32 v62, v16  }
0x319: {  	v25 =	vld [tilespmem:s16+$0x82E0]  }
0x31a: {  	v26 =	vmul.f32 v61, v11;
	v16 =	vadd.f32 v24, v16  }
0x31b: {  	v27 =	vld [tilespmem:s16+$0x8360]  }
0x31c: {  	v28 =	vmul.f32 v63, v12;
	v16 =	vadd.f32 v26, v16  }
0x31d: {  	v29 =	vld [tilespmem:s16+$0x83E0]  }
0x31e: {  	v30 =	vmul.f32 v25, v13;
	v16 =	vadd.f32 v28, v16;
	_ =	sdelay $0x1  }
0x31f: {  	v31 =	vmul.f32 v27, v14;
	v16 =	vadd.f32 v30, v16;
	_ =	sdelay $0x1  }
0x320: {  	v32 =	vmul.f32 v29, v15;
	v16 =	vadd.f32 v31, v16;
	_ =	sdelay $0x1  }
0x321: {  	v16 =	vadd.f32 v32, v16;
	_ =	sdelay $0x1  }
0x322: {  	[tilespmem:s31+$0x20] =	vst v16  }
0x323: {  	v16 =	vld [tilespmem:s16+$0x70];
	_ =	sdelay $0x1  }
0x324: {  	v33 =	vld [tilespmem:s16+$0xF0];
	_ =	sdelay $0x1  }
0x325: {  	v34 =	vld [tilespmem:s16+$0x170]  }
0x326: {  	v35 =	vmul.f32 v16, v4  }
0x327: {  	v36 =	vld [tilespmem:s16+$0x1F0]  }
0x328: {  	v37 =	vmul.f32 v33, v5;
	v4 =	vadd.f32 $0.0e+00, v35  }
0x329: {  	v38 =	vld [tilespmem:s16+$0x270]  }
0x32a: {  	v39 =	vmul.f32 v34, v2;
	v4 =	vadd.f32 v37, v4  }
0x32b: {  	v40 =	vld [tilespmem:s16+$0x2F0]  }
0x32c: {  	v41 =	vmul.f32 v36, v0;
	v2 =	vadd.f32 v39, v4  }
0x32d: {  	v42 =	vld [tilespmem:s16+$0x370]  }
0x32e: {  	v43 =	vmul.f32 v38, v1;
	v0 =	vadd.f32 v41, v2  }
0x32f: {  	v44 =	vld [tilespmem:s16+$0x3F0]  }
0x330: {  	v45 =	vmul.f32 v40, v3;
	v0 =	vadd.f32 v43, v0  }
0x331: {  	v46 =	vld [tilespmem:s16+$0x8070]  }
0x332: {  	v47 =	vmul.f32 v42, v6;
	v0 =	vadd.f32 v45, v0  }
0x333: {  	v48 =	vld [tilespmem:s16+$0x80F0]  }
0x334: {  	v49 =	vmul.f32 v44, v7;
	v0 =	vadd.f32 v47, v0  }
0x335: {  	v50 =	vld [tilespmem:s16+$0x8170]  }
0x336: {  	v51 =	vmul.f32 v46, v8;
	v0 =	vadd.f32 v49, v0  }
0x337: {  	v52 =	vld [tilespmem:s16+$0x81F0]  }
0x338: {  	v53 =	vmul.f32 v48, v9;
	v0 =	vadd.f32 v51, v0  }
0x339: {  	v54 =	vld [tilespmem:s16+$0x8270]  }
0x33a: {  	v55 =	vmul.f32 v50, v10;
	v0 =	vadd.f32 v53, v0  }
0x33b: {  	v56 =	vld [tilespmem:s16+$0x82F0]  }
0x33c: {  	v57 =	vmul.f32 v52, v11;
	v0 =	vadd.f32 v55, v0  }
0x33d: {  	v58 =	vld [tilespmem:s16+$0x8370]  }
0x33e: {  	v59 =	vmul.f32 v54, v12;
	v0 =	vadd.f32 v57, v0  }
0x33f: {  	v60 =	vld [tilespmem:s16+$0x83F0]  }
0x340: {  	v61 =	vmul.f32 v56, v13;
	v0 =	vadd.f32 v59, v0;
	_ =	sdelay $0x1  }
0x341: {  	v62 =	vmul.f32 v58, v14;
	v0 =	vadd.f32 v61, v0;
	_ =	sdelay $0x1  }
0x342: {  	v63 =	vmul.f32 v60, v15;
	v0 =	vadd.f32 v62, v0;
	_ =	sdelay $0x1  }
0x343: {  	v0 =	vadd.f32 v63, v0  }
0x344: {  	s14 =	sshll.u32 s14, $0x9  }
.Ltmp6:
0x345: {  	s14 =	sadd.s32 s5, s14;
	[tilespmem:s31+$0x30] =	vst v0;
	(pc) =	sbr.rel .LBB2_6-.Ltmp6, $4  }
0x346: {  	[hbm4b:s14+s3] =	stream.linear.scatter [tilespmem:s10], [sflag:$0x1], $0x1000, $0x38;
	[tilespmem:$0x11100] =	vst v63  }
0x347: {  	_ =	swait.ge [sflag:s11], $0x1000  }
0x348: {  	[sflag:s11] =	ssyncset.done $0x0  }
0x349: {  	[sflag:s11] =	ssyncadd.s32 $0xFFFFF000  }
.LBB2_8:
0x34a: {  	_ =	sfence.sel $0x180000  }
0x34b: {  	[bflag:$0x0] =	sbarrier.arrive $0xFFFF  }
0x34c: {  	p0 =	sne.s32 s0, $0x0;
	_ =	strace $0x90000047  }
0x34d: {  	s0 =	sadd.s32 @!p0 $0x100000, s2;
	[bflag:$0x2] =	sbarrier.arrive $0xFFFF  }
0x34e: {  	[sflag:s0] =	ssyncadd.tile.s32 @!p0 $0x1;
	_ =	shalt  }
.Lfunc_end2:
_tile_overlayer_lowered:
.L_overlay_start_2:
0x34f: {  	(tag) =	ssettag $0x2  }
0x350: {  	s0 =	rddreg [dreg:$0x0];
	s2 =	stileid.u32  }
0x351: {  	s1 =	rddreg [dreg:$0x1];
	p0 =	sne.s32 s2, $0x0  }
0x352: {  	s3 =	rddreg [dreg:$0x2];
	[bflag:$0x3] =	sbarrier.arrive $0xFFFF;
	s2 =	simm.s32 @!p0 $0x1C01  }
0x353: {  	[timem:s3], [sflag:s2] =	dma.local @!p0 [hbm:s0], s1  }
0x354: {  	s0 =	simm.s32 @!p0 $0x1  }
0x355: {  	_ =	swait.ge @!p0 [sflag:s0], s1  }
0x356: {  	s1 =	ssub.s32 @!p0 $0x0, s1;
	[sflag:s0] =	ssyncset.done @!p0 $0x0  }
0x357: {  	[sflag:s0] =	ssyncadd.s32 @!p0 s1  }
0x358: {  	[bflag:$0x3] =	sbarrier.arrive $0xFFFF  }
0x359: {  	_ =	shalt  }

</sc_bundles>
